<compile_context>
chip_gen: v7x
topology: tpu7x:2x2x1
jax: 0.10.2.dev20260603
libtpu: 0.0.44.dev20260713+nightly
codegen_flags: <defaults>
</compile_context>

<pallas_src>
import functools

import jax
import jax.numpy as jnp
from jax import lax
from jax.experimental import pallas as pl
from jax.experimental.pallas import tpu as pltpu
from jax.experimental.pallas import tpu_sc as plsc

NC = 2
NS = 16
K = 128
D = 128


def _mesh():
  return plsc.VectorSubcoreMesh(
      core_axis_name="c", subcore_axis_name="s", num_cores=NC,
      num_subcores=NS)


def _sc_degrees(idx_all, ones_k, zeros_d, n_pad):
  cpt = idx_all.shape[3]
  rpt = n_pad // NS

  @functools.partial(
      pl.kernel,
      out_type=jax.ShapeDtypeStruct((2, 2, n_pad, D), jnp.float32),
      mesh=_mesh(),
      scratch_types=[
          pltpu.VMEM((cpt, K), jnp.int32),
          pltpu.VMEM((K, D), jnp.float32),
          pltpu.VMEM_SHARED((n_pad, D), jnp.float32),
      ],
  )
  def k(idx_hbm, ones_hbm, zeros_hbm, out_hbm, eidx, onesb, acc):
    cid = lax.axis_index("c")
    sid = lax.axis_index("s")
    r0 = sid * rpt
    pltpu.sync_copy(ones_hbm, onesb)
    for dr in range(2):
      pltpu.sync_copy(idx_hbm.at[cid, dr, sid], eidx)
      pltpu.sync_copy(zeros_hbm, acc.at[pl.ds(r0, rpt)])
      plsc.subcore_barrier()

      def body(g, carry):
        pltpu.sync_copy(onesb, acc.at[eidx.at[g]], add=True)
        return carry

      lax.fori_loop(0, cpt, body, 0)
      plsc.subcore_barrier()
      pltpu.sync_copy(acc.at[pl.ds(r0, rpt)],
                      out_hbm.at[cid, dr, pl.ds(r0, rpt)])
      plsc.subcore_barrier()

  return k(idx_all, ones_k, zeros_d)


def _sc_segsum(h, idx_src, idx_dst, zeros_d, n_pad):
  cpt = idx_src.shape[2]
  rpt = n_pad // NS

  @functools.partial(
      pl.kernel,
      out_type=jax.ShapeDtypeStruct((2, n_pad, D), jnp.float32),
      mesh=_mesh(),
      scratch_types=[
          pltpu.VMEM((cpt, K), jnp.int32),
          pltpu.VMEM((cpt, K), jnp.int32),
          pltpu.VMEM((K, D), jnp.float32),
          pltpu.VMEM_SHARED((n_pad, D), jnp.float32),
          pltpu.SemaphoreType.DMA,
      ],
  )
  def k(h_hbm, src_hbm, dst_hbm, zeros_hbm, out_hbm, sidx, didx, rows0, acc,
        gsem0):
    cid = lax.axis_index("c")
    sid = lax.axis_index("s")
    r0 = sid * rpt
    pltpu.sync_copy(src_hbm.at[cid, sid], sidx)
    pltpu.sync_copy(dst_hbm.at[cid, sid], didx)
    pltpu.sync_copy(zeros_hbm, acc.at[pl.ds(r0, rpt)])
    plsc.subcore_barrier()

    def body(i, carry):
      pltpu.async_copy(h_hbm.at[sidx.at[i]], rows0, gsem0).wait()
      pltpu.sync_copy(rows0, acc.at[didx.at[i]], add=True)
      return carry

    lax.fori_loop(0, cpt, body, 0)
    plsc.subcore_barrier()
    pltpu.sync_copy(acc.at[pl.ds(r0, rpt)], out_hbm.at[cid, pl.ds(r0, rpt)])

  return k(h, idx_src, idx_dst, zeros_d)


def _scales(dg):
  so0 = lax.rsqrt(jnp.maximum(dg[0, 0, :, 0:1], 1.0))
  si0 = lax.rsqrt(jnp.maximum(dg[0, 1, :, 0:1], 1.0))
  so1 = lax.rsqrt(jnp.maximum(dg[1, 0, :, 0:1], 1.0))
  si1 = lax.rsqrt(jnp.maximum(dg[1, 1, :, 0:1], 1.0))
  return so0, si0, so1, si1


_BLK = 256


def _deg_spec():
  return pl.BlockSpec((2, 2, _BLK, D), lambda i: (0, 0, i, 0))


def _full(shape):
  return pl.BlockSpec(shape, lambda i: tuple(0 for _ in shape))


def _tc_init(x, w, b, deg, n_pad):
  def body(x_ref, w_ref, b_ref, deg_ref, h_ref):
    so0, _, so1, _ = _scales(deg_ref[...])
    x0 = jnp.dot(x_ref[...], w_ref[...],
                 preferred_element_type=jnp.float32) + b_ref[...]
    h_ref[...] = jnp.concatenate([x0 * so0, x0 * so1], axis=1)

  return pl.pallas_call(
      body,
      grid=(n_pad // _BLK,),
      in_specs=[
          pl.BlockSpec((_BLK, x.shape[1]), lambda i: (i, 0)),
          _full(w.shape),
          _full(b.shape),
          _deg_spec(),
      ],
      out_specs=pl.BlockSpec((_BLK, D), lambda i: (i, 0)),
      out_shape=jax.ShapeDtypeStruct((n_pad, D), jnp.float32),
  )(x, w, b, deg)


def _tc_mid(agg, w0, w1, b0, b1, deg, n_pad):
  def body(a_ref, w0_ref, w1_ref, b0_ref, b1_ref, deg_ref, h_ref):
    so0, si0, so1, si1 = _scales(deg_ref[...])
    a = a_ref[...]
    x = (jnp.dot(a[0][:, :64] * si0, w0_ref[...],
                 preferred_element_type=jnp.float32)
         + jnp.dot(a[1][:, 64:] * si1, w1_ref[...],
                   preferred_element_type=jnp.float32)
         + b0_ref[...] + b1_ref[...])
    h_ref[0] = x * so0
    h_ref[1] = x * so1

  return pl.pallas_call(
      body,
      grid=(n_pad // _BLK,),
      in_specs=[
          pl.BlockSpec((2, _BLK, D), lambda i: (0, i, 0)),
          _full(w0.shape), _full(w1.shape), _full(b0.shape), _full(b1.shape),
          _deg_spec(),
      ],
      out_specs=pl.BlockSpec((2, _BLK, D), lambda i: (0, i, 0)),
      out_shape=jax.ShapeDtypeStruct((2, n_pad, D), jnp.float32),
  )(agg, w0, w1, b0, b1, deg)


def _tc_l2(agg, w0, w1, b0, b1, w3_0, w3_1, deg, n_pad):
  def body(a_ref, w0_ref, w1_ref, b0_ref, b1_ref, w30_ref, w31_ref, deg_ref,
           z_ref):
    so0, si0, so1, si1 = _scales(deg_ref[...])
    a = a_ref[...]
    x = (jnp.dot(a[0] * si0, w0_ref[...], preferred_element_type=jnp.float32)
         + jnp.dot(a[1] * si1, w1_ref[...], preferred_element_type=jnp.float32)
         + b0_ref[...] + b1_ref[...])
    z0 = jnp.dot(x * so0, w30_ref[...], preferred_element_type=jnp.float32)
    z1 = jnp.dot(x * so1, w31_ref[...], preferred_element_type=jnp.float32)
    z_ref[...] = jnp.concatenate([z0, z1], axis=1)

  return pl.pallas_call(
      body,
      grid=(n_pad // _BLK,),
      in_specs=[
          pl.BlockSpec((2, _BLK, D), lambda i: (0, i, 0)),
          _full(w0.shape), _full(w1.shape), _full(b0.shape), _full(b1.shape),
          _full(w3_0.shape), _full(w3_1.shape),
          _deg_spec(),
      ],
      out_specs=pl.BlockSpec((_BLK, D), lambda i: (i, 0)),
      out_shape=jax.ShapeDtypeStruct((n_pad, D), jnp.float32),
  )(agg, w0, w1, b0, b1, w3_0, w3_1, deg)


def _tc_final(agg, b0, b1, deg, n):
  def body(a_ref, b0_ref, b1_ref, deg_ref, o_ref):
    _, si0, _, si1 = _scales(deg_ref[...])
    a = a_ref[...]
    o_ref[...] = (a[0][:, :64] * si0 + a[1][:, 64:] * si1
                  + b0_ref[...] + b1_ref[...])

  return pl.pallas_call(
      body,
      grid=(agg.shape[1] // _BLK,),
      in_specs=[
          pl.BlockSpec((2, _BLK, D), lambda i: (0, i, 0)),
          _full(b0.shape), _full(b1.shape),
          _deg_spec(),
      ],
      out_specs=pl.BlockSpec((_BLK, 64), lambda i: (i, 0)),
      out_shape=jax.ShapeDtypeStruct((n, 64), jnp.float32),
  )(agg, b0, b1, deg)


def kernel(input_data, edge_index_rel0, edge_index_rel1, W_init, b_init,
           W1_0, b1_0, W1_1, b1_1, W2_0, b2_0, W2_1, b2_1,
           W3_0, b3_0, W3_1, b3_1):
  n = input_data.shape[0]
  e = edge_index_rel0.shape[1]
  n_pad = ((n + _BLK - 1) // _BLK) * _BLK
  ept = e // NS
  ept_pad = ((ept + K - 1) // K) * K
  cpt = ept_pad // K
  n_sent = ept_pad - ept
  assert e % NS == 0 and n + n_sent <= n_pad

  idx = jnp.stack([edge_index_rel0, edge_index_rel1]).astype(
      jnp.int32).reshape(2, 2, NS, ept)
  sent = jnp.broadcast_to(
      (n + jnp.arange(n_sent, dtype=jnp.int32))[None, None, None, :],
      (2, 2, NS, n_sent))
  idx_all = jnp.concatenate([idx, sent], axis=3).reshape(2, 2, NS, cpt, K)
  idx_src = idx_all[:, 0]
  idx_dst = idx_all[:, 1]
  idx_src2 = idx_src + (jnp.arange(2, dtype=jnp.int32) * n_pad)[
      :, None, None, None]

  zeros_d = jnp.zeros((n_pad // NS, D), jnp.float32)
  ones_k = jnp.ones((K, D), jnp.float32)

  deg = _sc_degrees(idx_all, ones_k, zeros_d, n_pad)
  h1 = _tc_init(input_data, W_init, b_init.reshape(1, -1), deg, n_pad)
  agg1 = _sc_segsum(h1, idx_src, idx_dst, zeros_d, n_pad)
  h2 = _tc_mid(agg1, W1_0, W1_1, b1_0.reshape(1, -1), b1_1.reshape(1, -1),
               deg, n_pad)
  agg2 = _sc_segsum(h2.reshape(2 * n_pad, D), idx_src2, idx_dst, zeros_d,
                    n_pad)
  z3 = _tc_l2(agg2, W2_0, W2_1, b2_0.reshape(1, -1), b2_1.reshape(1, -1),
              W3_0, W3_1, deg, n_pad)
  agg3 = _sc_segsum(z3, idx_src, idx_dst, zeros_d, n_pad)
  return _tc_final(agg3, b3_0.reshape(1, -1), b3_1.reshape(1, -1), deg, n)

# --- scband reference (transcript-rebuilt; emitter-appended) ---
"""Pipeline reference for scband-generator-2327872274973 (READ-ONLY COPY).

The authoritative reference and input builder live on the scoring server;
editing this copy changes nothing except your own understanding.
"""

import jax, jax.numpy as jnp
import numpy as np


def graph_conv(x, src, dst, W, b, n):
    # DGL GraphConv with norm='both': D_dst^{-1/2} A (D_src^{-1/2} X) W + b
    ones = jnp.ones(src.shape[0], dtype=x.dtype)
    deg_out = jnp.clip(jax.ops.segment_sum(ones, src, num_segments=n), 1.0)
    deg_in = jnp.clip(jax.ops.segment_sum(ones, dst, num_segments=n), 1.0)
    h = x * (deg_out ** -0.5)[:, None]
    agg = jax.ops.segment_sum(h[src], dst, num_segments=n)
    agg = agg * (deg_in ** -0.5)[:, None]
    return agg @ W + b


def setup_inputs(seed: int = 0):
    key = jax.random.key(seed)
    ks = jax.random.split(key, 20)
    N, E = 10000, 160000
    inp = {}
    inp['input_data'] = jax.random.normal(ks[0], (N, 128), dtype=jnp.float32)
    inp['edge_index_rel0'] = jax.random.randint(ks[1], (2, E), 0, N)
    inp['edge_index_rel1'] = jax.random.randint(ks[2], (2, E), 0, N)
    s = 0.05
    inp['W_init'] = jax.random.normal(ks[3], (128, 64), dtype=jnp.float32) * s
    inp['b_init'] = jnp.zeros((64,), dtype=jnp.float32)
    inp['W1_0'] = jax.random.normal(ks[4], (64, 128), dtype=jnp.float32) * s
    inp['b1_0'] = jnp.zeros((128,), dtype=jnp.float32)
    inp['W1_1'] = jax.random.normal(ks[5], (64, 128), dtype=jnp.float32) * s
    inp['b1_1'] = jnp.zeros((128,), dtype=jnp.float32)
    inp['W2_0'] = jax.random.normal(ks[6], (128, 256), dtype=jnp.float32) * s
    inp['b2_0'] = jnp.zeros((256,), dtype=jnp.float32)
    inp['W2_1'] = jax.random.normal(ks[7], (128, 256), dtype=jnp.float32) * s
    inp['b2_1'] = jnp.zeros((256,), dtype=jnp.float32)
    inp['W3_0'] = jax.random.normal(ks[8], (256, 64), dtype=jnp.float32) * s
    inp['b3_0'] = jnp.zeros((64,), dtype=jnp.float32)
    inp['W3_1'] = jax.random.normal(ks[9], (256, 64), dtype=jnp.float32) * s
    inp['b3_1'] = jnp.zeros((64,), dtype=jnp.float32)
    return inp


def reference(input_data, edge_index_rel0, edge_index_rel1, W_init, b_init,
              W1_0, b1_0, W1_1, b1_1, W2_0, b2_0, W2_1, b2_1,
              W3_0, b3_0, W3_1, b3_1):
    n = input_data.shape[0]
    s0, d0 = edge_index_rel0[0], edge_index_rel0[1]
    s1, d1 = edge_index_rel1[0], edge_index_rel1[1]
    # self.initialization: Linear(input_dim, 64)
    x = input_data @ W_init + b_init
    # conv1: HeteroGraphConv over relations, aggregate='sum'
    x = graph_conv(x, s0, d0, W1_0, b1_0, n) + graph_conv(x, s1, d1, W1_1, b1_1, n)
    # conv2
    x = graph_conv(x, s0, d0, W2_0, b2_0, n) + graph_conv(x, s1, d1, W2_1, b2_1, n)
    # nn.Upsample(bilinear) is not applicable to [N, D] node-feature dicts; treated as identity (see notes)
    # conv3
    x = graph_conv(x, s0, d0, W3_0, b3_0, n) + graph_conv(x, s1, d1, W3_1, b3_1, n)
    return x

if __name__ == "__main__":
    import jax
    _d = setup_inputs()
    print(jax.jit(kernel)(*tuple(_d.values())))

</pallas_src>

<mosaic_0001>
#map = affine_map<(d0, d1) -> (0, 0, 0, 0, 0)>
#map1 = affine_map<(d0, d1) -> (0, 0)>
#map2 = affine_map<(d0, d1) -> (0, 0, 0, 0)>
module attributes {stable_mosaic.version = 14 : i64} {
  func.func @k(%arg0: i32, %arg1: i32, %arg2: memref<2x2x16x79x128xi32, #tpu.memory_space<hbm>>, %arg3: memref<128x128xf32, #tpu.memory_space<hbm>>, %arg4: memref<640x128xf32, #tpu.memory_space<hbm>>, %arg5: memref<2x2x10240x128xf32, #tpu.memory_space<hbm>>, %arg6: memref<79x128xi32, #tpu.memory_space<vmem>>, %arg7: memref<128x128xf32, #tpu.memory_space<vmem>>, %arg8: memref<10240x128xf32, #tpu.memory_space<vmem_shared>>) attributes {dimension_semantics = [#tpu.dimension_semantics<core_parallel>, #tpu.dimension_semantics<subcore_parallel>], iteration_bounds = array<i64: 2, 16>, scalar_prefetch = 0 : i64, scratch_operands = 3 : i64, tpu.core_type = #tpu.core_type<sc_vector_subcore>, window_params = [{transform_indices = #map}, {transform_indices = #map1}, {transform_indices = #map1}, {transform_indices = #map2}]} {
    %mul3A = arith.constant 640 : i32
    %mul3A_0 = arith.muli %arg1, %mul3A : i32
    "tpu.region"() ({
      %run_scoped3A_20 = tpu.sem_alloc : memref<!tpu.dma_semaphore, #tpu.memory_space<semaphore_mem>>
      tpu.enqueue_dma source(%arg3 : memref<128x128xf32, #tpu.memory_space<hbm>>) target(%arg7 : memref<128x128xf32, #tpu.memory_space<vmem>>) target_semaphore(%run_scoped3A_20 : memref<!tpu.dma_semaphore, #tpu.memory_space<semaphore_mem>>)
      tpu.wait_dma2 semaphore(%run_scoped3A_20 : memref<!tpu.dma_semaphore, #tpu.memory_space<semaphore_mem>>) src(%arg3 : memref<128x128xf32, #tpu.memory_space<hbm>>) dst(%arg7 : memref<128x128xf32, #tpu.memory_space<vmem>>)
      tpu.yield
    }) : () -> ()
    %run_scoped3A = arith.constant 0 : i32
    "tpu.region"() ({
      %run_scoped3A_20 = tpu.sem_alloc : memref<!tpu.dma_semaphore, #tpu.memory_space<semaphore_mem>>
      %dma_start3A = arith.constant 0 : i32
      %dma_start3A_21 = arith.constant 0 : i32
      %dma_start3A_22 = tpu.memref_slice %arg2[%arg0, %run_scoped3A, %arg1, %dma_start3A, %dma_start3A_21] : memref<2x2x16x79x128xi32, #tpu.memory_space<hbm>> -> memref<1x1x1x79x128xi32, #tpu.memory_space<hbm>>
      %dma_start3A_23 = tpu.memref_squeeze %dma_start3A_22 : memref<1x1x1x79x128xi32, #tpu.memory_space<hbm>> -> memref<79x128xi32, #tpu.memory_space<hbm>>
      %dma_start3A_24 = arith.constant 0 : i32
      %dma_start3A_25 = arith.constant 0 : i32
      %dma_start3A_26 = tpu.memref_slice %arg2[%arg0, %run_scoped3A, %arg1, %dma_start3A_24, %dma_start3A_25] : memref<2x2x16x79x128xi32, #tpu.memory_space<hbm>> -> memref<1x1x1x79x128xi32, #tpu.memory_space<hbm>>
      %dma_start3A_27 = tpu.memref_squeeze %dma_start3A_26 : memref<1x1x1x79x128xi32, #tpu.memory_space<hbm>> -> memref<79x128xi32, #tpu.memory_space<hbm>>
      tpu.enqueue_dma source(%dma_start3A_27 : memref<79x128xi32, #tpu.memory_space<hbm>>) target(%arg6 : memref<79x128xi32, #tpu.memory_space<vmem>>) target_semaphore(%run_scoped3A_20 : memref<!tpu.dma_semaphore, #tpu.memory_space<semaphore_mem>>)
      %dma_wait3A = arith.constant 0 : i32
      %dma_wait3A_28 = arith.constant 0 : i32
      %dma_wait3A_29 = tpu.memref_slice %arg2[%arg0, %run_scoped3A, %arg1, %dma_wait3A, %dma_wait3A_28] : memref<2x2x16x79x128xi32, #tpu.memory_space<hbm>> -> memref<1x1x1x79x128xi32, #tpu.memory_space<hbm>>
      %dma_wait3A_30 = tpu.memref_squeeze %dma_wait3A_29 : memref<1x1x1x79x128xi32, #tpu.memory_space<hbm>> -> memref<79x128xi32, #tpu.memory_space<hbm>>
      %dma_wait3A_31 = arith.constant 0 : i32
      %dma_wait3A_32 = arith.constant 0 : i32
      %dma_wait3A_33 = tpu.memref_slice %arg2[%arg0, %run_scoped3A, %arg1, %dma_wait3A_31, %dma_wait3A_32] : memref<2x2x16x79x128xi32, #tpu.memory_space<hbm>> -> memref<1x1x1x79x128xi32, #tpu.memory_space<hbm>>
      %dma_wait3A_34 = tpu.memref_squeeze %dma_wait3A_33 : memref<1x1x1x79x128xi32, #tpu.memory_space<hbm>> -> memref<79x128xi32, #tpu.memory_space<hbm>>
      tpu.wait_dma2 semaphore(%run_scoped3A_20 : memref<!tpu.dma_semaphore, #tpu.memory_space<semaphore_mem>>) src(%dma_wait3A_34 : memref<79x128xi32, #tpu.memory_space<hbm>>) dst(%arg6 : memref<79x128xi32, #tpu.memory_space<vmem>>)
      tpu.yield
    }) : () -> ()
    "tpu.region"() ({
      %run_scoped3A_20 = tpu.sem_alloc : memref<!tpu.dma_semaphore, #tpu.memory_space<semaphore_mem>>
      %dma_start3A = arith.constant 0 : i32
      %dma_start3A_21 = tpu.memref_slice %arg8[%mul3A_0, %dma_start3A] : memref<10240x128xf32, #tpu.memory_space<vmem_shared>> -> memref<640x128xf32, #tpu.memory_space<vmem_shared>>
      tpu.enqueue_dma source(%arg4 : memref<640x128xf32, #tpu.memory_space<hbm>>) target(%dma_start3A_21 : memref<640x128xf32, #tpu.memory_space<vmem_shared>>) target_semaphore(%run_scoped3A_20 : memref<!tpu.dma_semaphore, #tpu.memory_space<semaphore_mem>>)
      %dma_wait3A = arith.constant 0 : i32
      %dma_wait3A_22 = tpu.memref_slice %arg8[%mul3A_0, %dma_wait3A] : memref<10240x128xf32, #tpu.memory_space<vmem_shared>> -> memref<640x128xf32, #tpu.memory_space<vmem_shared>>
      tpu.wait_dma2 semaphore(%run_scoped3A_20 : memref<!tpu.dma_semaphore, #tpu.memory_space<semaphore_mem>>) src(%arg4 : memref<640x128xf32, #tpu.memory_space<hbm>>) dst(%dma_wait3A_22 : memref<640x128xf32, #tpu.memory_space<vmem_shared>>)
      tpu.yield
    }) : () -> ()
    %barrier3A = arith.constant 0 : index
    tpu.barrier barrier_id(%barrier3A)
    %scan3A = arith.constant 0 : i32
    %scan3A_1 = arith.constant 0 : i32
    %scan3A_2 = arith.constant 79 : i32
    %scan3A_3 = arith.addi %scan3A_1, %scan3A_2 : i32
    %scan3A_4 = arith.constant 1 : i32
    scf.for %scan3A_20 = %scan3A_1 to %scan3A_3 step %scan3A_4  : i32 {
      "tpu.region"() ({
        %run_scoped3A_21 = tpu.sem_alloc : memref<!tpu.dma_semaphore, #tpu.memory_space<semaphore_mem>>
        %dma_start3A = arith.constant 0 : i32
        %dma_start3A_22 = tpu.memref_slice %arg6[%scan3A_20, %dma_start3A] : memref<79x128xi32, #tpu.memory_space<vmem>> -> memref<1x128xi32, #tpu.memory_space<vmem>>
        %dma_start3A_23 = tpu.memref_squeeze %dma_start3A_22 : memref<1x128xi32, #tpu.memory_space<vmem>> -> memref<128xi32, #tpu.memory_space<vmem>>
        %dma_start3A_24 = arith.constant 0 : i32
        %dma_start3A_25 = arith.constant 0 : i32
        %dma_start3A_26 = tpu.memref_slice %arg8[%dma_start3A_24, %dma_start3A_25] : memref<10240x128xf32, #tpu.memory_space<vmem_shared>> -> memref<10240x128xf32, #tpu.memory_space<vmem_shared>>
        tpu.enqueue_indirect_dma source(%arg7 : memref<128x128xf32, #tpu.memory_space<vmem>>) target(%dma_start3A_26 : memref<10240x128xf32, #tpu.memory_space<vmem_shared>>) offsets(%dma_start3A_23 : memref<128xi32, #tpu.memory_space<vmem>>) semaphore(%run_scoped3A_21 : memref<!tpu.dma_semaphore, #tpu.memory_space<semaphore_mem>>) {add = true}
        %dma_wait3A = arith.constant 0 : i32
        %dma_wait3A_27 = tpu.memref_slice %arg6[%scan3A_20, %dma_wait3A] : memref<79x128xi32, #tpu.memory_space<vmem>> -> memref<1x128xi32, #tpu.memory_space<vmem>>
        %dma_wait3A_28 = tpu.memref_squeeze %dma_wait3A_27 : memref<1x128xi32, #tpu.memory_space<vmem>> -> memref<128xi32, #tpu.memory_space<vmem>>
        %dma_wait3A_29 = arith.constant 0 : i32
        %dma_wait3A_30 = arith.constant 0 : i32
        %dma_wait3A_31 = tpu.memref_slice %arg8[%dma_wait3A_29, %dma_wait3A_30] : memref<10240x128xf32, #tpu.memory_space<vmem_shared>> -> memref<10240x128xf32, #tpu.memory_space<vmem_shared>>
        tpu.wait_indirect_dma semaphore(%run_scoped3A_21 : memref<!tpu.dma_semaphore, #tpu.memory_space<semaphore_mem>>) src(%arg7 : memref<128x128xf32, #tpu.memory_space<vmem>>) dst(%dma_wait3A_31 : memref<10240x128xf32, #tpu.memory_space<vmem_shared>>)
        tpu.yield
      }) : () -> ()
    }
    %scan3A_5 = arith.constant 79 : i32
    %barrier3A_6 = arith.constant 0 : index
    tpu.barrier barrier_id(%barrier3A_6)
    %run_scoped3A_7 = arith.constant 0 : i32
    "tpu.region"() ({
      %run_scoped3A_20 = tpu.sem_alloc : memref<!tpu.dma_semaphore, #tpu.memory_space<semaphore_mem>>
      %dma_start3A = arith.constant 0 : i32
      %dma_start3A_21 = tpu.memref_slice %arg5[%arg0, %run_scoped3A_7, %mul3A_0, %dma_start3A] : memref<2x2x10240x128xf32, #tpu.memory_space<hbm>> -> memref<1x1x640x128xf32, #tpu.memory_space<hbm>>
      %dma_start3A_22 = tpu.memref_squeeze %dma_start3A_21 : memref<1x1x640x128xf32, #tpu.memory_space<hbm>> -> memref<640x128xf32, #tpu.memory_space<hbm>>
      %dma_start3A_23 = arith.constant 0 : i32
      %dma_start3A_24 = tpu.memref_slice %arg8[%mul3A_0, %dma_start3A_23] : memref<10240x128xf32, #tpu.memory_space<vmem_shared>> -> memref<640x128xf32, #tpu.memory_space<vmem_shared>>
      tpu.enqueue_dma source(%dma_start3A_24 : memref<640x128xf32, #tpu.memory_space<vmem_shared>>) target(%dma_start3A_22 : memref<640x128xf32, #tpu.memory_space<hbm>>) target_semaphore(%run_scoped3A_20 : memref<!tpu.dma_semaphore, #tpu.memory_space<semaphore_mem>>)
      %dma_wait3A = arith.constant 0 : i32
      %dma_wait3A_25 = tpu.memref_slice %arg5[%arg0, %run_scoped3A_7, %mul3A_0, %dma_wait3A] : memref<2x2x10240x128xf32, #tpu.memory_space<hbm>> -> memref<1x1x640x128xf32, #tpu.memory_space<hbm>>
      %dma_wait3A_26 = tpu.memref_squeeze %dma_wait3A_25 : memref<1x1x640x128xf32, #tpu.memory_space<hbm>> -> memref<640x128xf32, #tpu.memory_space<hbm>>
      %dma_wait3A_27 = arith.constant 0 : i32
      %dma_wait3A_28 = tpu.memref_slice %arg8[%mul3A_0, %dma_wait3A_27] : memref<10240x128xf32, #tpu.memory_space<vmem_shared>> -> memref<640x128xf32, #tpu.memory_space<vmem_shared>>
      tpu.wait_dma2 semaphore(%run_scoped3A_20 : memref<!tpu.dma_semaphore, #tpu.memory_space<semaphore_mem>>) src(%dma_wait3A_28 : memref<640x128xf32, #tpu.memory_space<vmem_shared>>) dst(%dma_wait3A_26 : memref<640x128xf32, #tpu.memory_space<hbm>>)
      tpu.yield
    }) : () -> ()
    %barrier3A_8 = arith.constant 0 : index
    tpu.barrier barrier_id(%barrier3A_8)
    %run_scoped3A_9 = arith.constant 1 : i32
    "tpu.region"() ({
      %run_scoped3A_20 = tpu.sem_alloc : memref<!tpu.dma_semaphore, #tpu.memory_space<semaphore_mem>>
      %dma_start3A = arith.constant 0 : i32
      %dma_start3A_21 = arith.constant 0 : i32
      %dma_start3A_22 = tpu.memref_slice %arg2[%arg0, %run_scoped3A_9, %arg1, %dma_start3A, %dma_start3A_21] : memref<2x2x16x79x128xi32, #tpu.memory_space<hbm>> -> memref<1x1x1x79x128xi32, #tpu.memory_space<hbm>>
      %dma_start3A_23 = tpu.memref_squeeze %dma_start3A_22 : memref<1x1x1x79x128xi32, #tpu.memory_space<hbm>> -> memref<79x128xi32, #tpu.memory_space<hbm>>
      %dma_start3A_24 = arith.constant 0 : i32
      %dma_start3A_25 = arith.constant 0 : i32
      %dma_start3A_26 = tpu.memref_slice %arg2[%arg0, %run_scoped3A_9, %arg1, %dma_start3A_24, %dma_start3A_25] : memref<2x2x16x79x128xi32, #tpu.memory_space<hbm>> -> memref<1x1x1x79x128xi32, #tpu.memory_space<hbm>>
      %dma_start3A_27 = tpu.memref_squeeze %dma_start3A_26 : memref<1x1x1x79x128xi32, #tpu.memory_space<hbm>> -> memref<79x128xi32, #tpu.memory_space<hbm>>
      tpu.enqueue_dma source(%dma_start3A_27 : memref<79x128xi32, #tpu.memory_space<hbm>>) target(%arg6 : memref<79x128xi32, #tpu.memory_space<vmem>>) target_semaphore(%run_scoped3A_20 : memref<!tpu.dma_semaphore, #tpu.memory_space<semaphore_mem>>)
      %dma_wait3A = arith.constant 0 : i32
      %dma_wait3A_28 = arith.constant 0 : i32
      %dma_wait3A_29 = tpu.memref_slice %arg2[%arg0, %run_scoped3A_9, %arg1, %dma_wait3A, %dma_wait3A_28] : memref<2x2x16x79x128xi32, #tpu.memory_space<hbm>> -> memref<1x1x1x79x128xi32, #tpu.memory_space<hbm>>
      %dma_wait3A_30 = tpu.memref_squeeze %dma_wait3A_29 : memref<1x1x1x79x128xi32, #tpu.memory_space<hbm>> -> memref<79x128xi32, #tpu.memory_space<hbm>>
      %dma_wait3A_31 = arith.constant 0 : i32
      %dma_wait3A_32 = arith.constant 0 : i32
      %dma_wait3A_33 = tpu.memref_slice %arg2[%arg0, %run_scoped3A_9, %arg1, %dma_wait3A_31, %dma_wait3A_32] : memref<2x2x16x79x128xi32, #tpu.memory_space<hbm>> -> memref<1x1x1x79x128xi32, #tpu.memory_space<hbm>>
      %dma_wait3A_34 = tpu.memref_squeeze %dma_wait3A_33 : memref<1x1x1x79x128xi32, #tpu.memory_space<hbm>> -> memref<79x128xi32, #tpu.memory_space<hbm>>
      tpu.wait_dma2 semaphore(%run_scoped3A_20 : memref<!tpu.dma_semaphore, #tpu.memory_space<semaphore_mem>>) src(%dma_wait3A_34 : memref<79x128xi32, #tpu.memory_space<hbm>>) dst(%arg6 : memref<79x128xi32, #tpu.memory_space<vmem>>)
      tpu.yield
    }) : () -> ()
    "tpu.region"() ({
      %run_scoped3A_20 = tpu.sem_alloc : memref<!tpu.dma_semaphore, #tpu.memory_space<semaphore_mem>>
      %dma_start3A = arith.constant 0 : i32
      %dma_start3A_21 = tpu.memref_slice %arg8[%mul3A_0, %dma_start3A] : memref<10240x128xf32, #tpu.memory_space<vmem_shared>> -> memref<640x128xf32, #tpu.memory_space<vmem_shared>>
      tpu.enqueue_dma source(%arg4 : memref<640x128xf32, #tpu.memory_space<hbm>>) target(%dma_start3A_21 : memref<640x128xf32, #tpu.memory_space<vmem_shared>>) target_semaphore(%run_scoped3A_20 : memref<!tpu.dma_semaphore, #tpu.memory_space<semaphore_mem>>)
      %dma_wait3A = arith.constant 0 : i32
      %dma_wait3A_22 = tpu.memref_slice %arg8[%mul3A_0, %dma_wait3A] : memref<10240x128xf32, #tpu.memory_space<vmem_shared>> -> memref<640x128xf32, #tpu.memory_space<vmem_shared>>
      tpu.wait_dma2 semaphore(%run_scoped3A_20 : memref<!tpu.dma_semaphore, #tpu.memory_space<semaphore_mem>>) src(%arg4 : memref<640x128xf32, #tpu.memory_space<hbm>>) dst(%dma_wait3A_22 : memref<640x128xf32, #tpu.memory_space<vmem_shared>>)
      tpu.yield
    }) : () -> ()
    %barrier3A_10 = arith.constant 0 : index
    tpu.barrier barrier_id(%barrier3A_10)
    %scan3A_11 = arith.constant 0 : i32
    %scan3A_12 = arith.constant 0 : i32
    %scan3A_13 = arith.constant 79 : i32
    %scan3A_14 = arith.addi %scan3A_12, %scan3A_13 : i32
    %scan3A_15 = arith.constant 1 : i32
    scf.for %scan3A_20 = %scan3A_12 to %scan3A_14 step %scan3A_15  : i32 {
      "tpu.region"() ({
        %run_scoped3A_21 = tpu.sem_alloc : memref<!tpu.dma_semaphore, #tpu.memory_space<semaphore_mem>>
        %dma_start3A = arith.constant 0 : i32
        %dma_start3A_22 = tpu.memref_slice %arg6[%scan3A_20, %dma_start3A] : memref<79x128xi32, #tpu.memory_space<vmem>> -> memref<1x128xi32, #tpu.memory_space<vmem>>
        %dma_start3A_23 = tpu.memref_squeeze %dma_start3A_22 : memref<1x128xi32, #tpu.memory_space<vmem>> -> memref<128xi32, #tpu.memory_space<vmem>>
        %dma_start3A_24 = arith.constant 0 : i32
        %dma_start3A_25 = arith.constant 0 : i32
        %dma_start3A_26 = tpu.memref_slice %arg8[%dma_start3A_24, %dma_start3A_25] : memref<10240x128xf32, #tpu.memory_space<vmem_shared>> -> memref<10240x128xf32, #tpu.memory_space<vmem_shared>>
        tpu.enqueue_indirect_dma source(%arg7 : memref<128x128xf32, #tpu.memory_space<vmem>>) target(%dma_start3A_26 : memref<10240x128xf32, #tpu.memory_space<vmem_shared>>) offsets(%dma_start3A_23 : memref<128xi32, #tpu.memory_space<vmem>>) semaphore(%run_scoped3A_21 : memref<!tpu.dma_semaphore, #tpu.memory_space<semaphore_mem>>) {add = true}
        %dma_wait3A = arith.constant 0 : i32
        %dma_wait3A_27 = tpu.memref_slice %arg6[%scan3A_20, %dma_wait3A] : memref<79x128xi32, #tpu.memory_space<vmem>> -> memref<1x128xi32, #tpu.memory_space<vmem>>
        %dma_wait3A_28 = tpu.memref_squeeze %dma_wait3A_27 : memref<1x128xi32, #tpu.memory_space<vmem>> -> memref<128xi32, #tpu.memory_space<vmem>>
        %dma_wait3A_29 = arith.constant 0 : i32
        %dma_wait3A_30 = arith.constant 0 : i32
        %dma_wait3A_31 = tpu.memref_slice %arg8[%dma_wait3A_29, %dma_wait3A_30] : memref<10240x128xf32, #tpu.memory_space<vmem_shared>> -> memref<10240x128xf32, #tpu.memory_space<vmem_shared>>
        tpu.wait_indirect_dma semaphore(%run_scoped3A_21 : memref<!tpu.dma_semaphore, #tpu.memory_space<semaphore_mem>>) src(%arg7 : memref<128x128xf32, #tpu.memory_space<vmem>>) dst(%dma_wait3A_31 : memref<10240x128xf32, #tpu.memory_space<vmem_shared>>)
        tpu.yield
      }) : () -> ()
    }
    %scan3A_16 = arith.constant 79 : i32
    %barrier3A_17 = arith.constant 0 : index
    tpu.barrier barrier_id(%barrier3A_17)
    %run_scoped3A_18 = arith.constant 1 : i32
    "tpu.region"() ({
      %run_scoped3A_20 = tpu.sem_alloc : memref<!tpu.dma_semaphore, #tpu.memory_space<semaphore_mem>>
      %dma_start3A = arith.constant 0 : i32
      %dma_start3A_21 = tpu.memref_slice %arg5[%arg0, %run_scoped3A_18, %mul3A_0, %dma_start3A] : memref<2x2x10240x128xf32, #tpu.memory_space<hbm>> -> memref<1x1x640x128xf32, #tpu.memory_space<hbm>>
      %dma_start3A_22 = tpu.memref_squeeze %dma_start3A_21 : memref<1x1x640x128xf32, #tpu.memory_space<hbm>> -> memref<640x128xf32, #tpu.memory_space<hbm>>
      %dma_start3A_23 = arith.constant 0 : i32
      %dma_start3A_24 = tpu.memref_slice %arg8[%mul3A_0, %dma_start3A_23] : memref<10240x128xf32, #tpu.memory_space<vmem_shared>> -> memref<640x128xf32, #tpu.memory_space<vmem_shared>>
      tpu.enqueue_dma source(%dma_start3A_24 : memref<640x128xf32, #tpu.memory_space<vmem_shared>>) target(%dma_start3A_22 : memref<640x128xf32, #tpu.memory_space<hbm>>) target_semaphore(%run_scoped3A_20 : memref<!tpu.dma_semaphore, #tpu.memory_space<semaphore_mem>>)
      %dma_wait3A = arith.constant 0 : i32
      %dma_wait3A_25 = tpu.memref_slice %arg5[%arg0, %run_scoped3A_18, %mul3A_0, %dma_wait3A] : memref<2x2x10240x128xf32, #tpu.memory_space<hbm>> -> memref<1x1x640x128xf32, #tpu.memory_space<hbm>>
      %dma_wait3A_26 = tpu.memref_squeeze %dma_wait3A_25 : memref<1x1x640x128xf32, #tpu.memory_space<hbm>> -> memref<640x128xf32, #tpu.memory_space<hbm>>
      %dma_wait3A_27 = arith.constant 0 : i32
      %dma_wait3A_28 = tpu.memref_slice %arg8[%mul3A_0, %dma_wait3A_27] : memref<10240x128xf32, #tpu.memory_space<vmem_shared>> -> memref<640x128xf32, #tpu.memory_space<vmem_shared>>
      tpu.wait_dma2 semaphore(%run_scoped3A_20 : memref<!tpu.dma_semaphore, #tpu.memory_space<semaphore_mem>>) src(%dma_wait3A_28 : memref<640x128xf32, #tpu.memory_space<vmem_shared>>) dst(%dma_wait3A_26 : memref<640x128xf32, #tpu.memory_space<hbm>>)
      tpu.yield
    }) : () -> ()
    %barrier3A_19 = arith.constant 0 : index
    tpu.barrier barrier_id(%barrier3A_19)
    return
  }
}

#map = affine_map<(d0, d1) -> (0, 0)>
#map1 = affine_map<(d0, d1) -> (0, 0, 0, 0)>
#map2 = affine_map<(d0, d1) -> (0, 0, 0)>
module attributes {stable_mosaic.version = 14 : i64} {
  func.func @k(%arg0: i32, %arg1: i32, %arg2: memref<10240x128xf32, #tpu.memory_space<hbm>>, %arg3: memref<2x16x79x128xi32, #tpu.memory_space<hbm>>, %arg4: memref<2x16x79x128xi32, #tpu.memory_space<hbm>>, %arg5: memref<640x128xf32, #tpu.memory_space<hbm>>, %arg6: memref<2x10240x128xf32, #tpu.memory_space<hbm>>, %arg7: memref<79x128xi32, #tpu.memory_space<vmem>>, %arg8: memref<79x128xi32, #tpu.memory_space<vmem>>, %arg9: memref<128x128xf32, #tpu.memory_space<vmem>>, %arg10: memref<10240x128xf32, #tpu.memory_space<vmem_shared>>, %arg11: memref<!tpu.dma_semaphore, #tpu.memory_space<semaphore_mem>>) attributes {dimension_semantics = [#tpu.dimension_semantics<core_parallel>, #tpu.dimension_semantics<subcore_parallel>], iteration_bounds = array<i64: 2, 16>, scalar_prefetch = 0 : i64, scratch_operands = 5 : i64, tpu.core_type = #tpu.core_type<sc_vector_subcore>, window_params = [{transform_indices = #map}, {transform_indices = #map1}, {transform_indices = #map1}, {transform_indices = #map}, {transform_indices = #map2}]} {
    %mul3A = arith.constant 640 : i32
    %mul3A_0 = arith.muli %arg1, %mul3A : i32
    "tpu.region"() ({
      %run_scoped3A = tpu.sem_alloc : memref<!tpu.dma_semaphore, #tpu.memory_space<semaphore_mem>>
      %dma_start3A = arith.constant 0 : i32
      %dma_start3A_7 = arith.constant 0 : i32
      %dma_start3A_8 = tpu.memref_slice %arg3[%arg0, %arg1, %dma_start3A, %dma_start3A_7] : memref<2x16x79x128xi32, #tpu.memory_space<hbm>> -> memref<1x1x79x128xi32, #tpu.memory_space<hbm>>
      %dma_start3A_9 = tpu.memref_squeeze %dma_start3A_8 : memref<1x1x79x128xi32, #tpu.memory_space<hbm>> -> memref<79x128xi32, #tpu.memory_space<hbm>>
      %dma_start3A_10 = arith.constant 0 : i32
      %dma_start3A_11 = arith.constant 0 : i32
      %dma_start3A_12 = tpu.memref_slice %arg3[%arg0, %arg1, %dma_start3A_10, %dma_start3A_11] : memref<2x16x79x128xi32, #tpu.memory_space<hbm>> -> memref<1x1x79x128xi32, #tpu.memory_space<hbm>>
      %dma_start3A_13 = tpu.memref_squeeze %dma_start3A_12 : memref<1x1x79x128xi32, #tpu.memory_space<hbm>> -> memref<79x128xi32, #tpu.memory_space<hbm>>
      tpu.enqueue_dma source(%dma_start3A_13 : memref<79x128xi32, #tpu.memory_space<hbm>>) target(%arg7 : memref<79x128xi32, #tpu.memory_space<vmem>>) target_semaphore(%run_scoped3A : memref<!tpu.dma_semaphore, #tpu.memory_space<semaphore_mem>>)
      %dma_wait3A = arith.constant 0 : i32
      %dma_wait3A_14 = arith.constant 0 : i32
      %dma_wait3A_15 = tpu.memref_slice %arg3[%arg0, %arg1, %dma_wait3A, %dma_wait3A_14] : memref<2x16x79x128xi32, #tpu.memory_space<hbm>> -> memref<1x1x79x128xi32, #tpu.memory_space<hbm>>
      %dma_wait3A_16 = tpu.memref_squeeze %dma_wait3A_15 : memref<1x1x79x128xi32, #tpu.memory_space<hbm>> -> memref<79x128xi32, #tpu.memory_space<hbm>>
      %dma_wait3A_17 = arith.constant 0 : i32
      %dma_wait3A_18 = arith.constant 0 : i32
      %dma_wait3A_19 = tpu.memref_slice %arg3[%arg0, %arg1, %dma_wait3A_17, %dma_wait3A_18] : memref<2x16x79x128xi32, #tpu.memory_space<hbm>> -> memref<1x1x79x128xi32, #tpu.memory_space<hbm>>
      %dma_wait3A_20 = tpu.memref_squeeze %dma_wait3A_19 : memref<1x1x79x128xi32, #tpu.memory_space<hbm>> -> memref<79x128xi32, #tpu.memory_space<hbm>>
      tpu.wait_dma2 semaphore(%run_scoped3A : memref<!tpu.dma_semaphore, #tpu.memory_space<semaphore_mem>>) src(%dma_wait3A_20 : memref<79x128xi32, #tpu.memory_space<hbm>>) dst(%arg7 : memref<79x128xi32, #tpu.memory_space<vmem>>)
      tpu.yield
    }) : () -> ()
    "tpu.region"() ({
      %run_scoped3A = tpu.sem_alloc : memref<!tpu.dma_semaphore, #tpu.memory_space<semaphore_mem>>
      %dma_start3A = arith.constant 0 : i32
      %dma_start3A_7 = arith.constant 0 : i32
      %dma_start3A_8 = tpu.memref_slice %arg4[%arg0, %arg1, %dma_start3A, %dma_start3A_7] : memref<2x16x79x128xi32, #tpu.memory_space<hbm>> -> memref<1x1x79x128xi32, #tpu.memory_space<hbm>>
      %dma_start3A_9 = tpu.memref_squeeze %dma_start3A_8 : memref<1x1x79x128xi32, #tpu.memory_space<hbm>> -> memref<79x128xi32, #tpu.memory_space<hbm>>
      %dma_start3A_10 = arith.constant 0 : i32
      %dma_start3A_11 = arith.constant 0 : i32
      %dma_start3A_12 = tpu.memref_slice %arg4[%arg0, %arg1, %dma_start3A_10, %dma_start3A_11] : memref<2x16x79x128xi32, #tpu.memory_space<hbm>> -> memref<1x1x79x128xi32, #tpu.memory_space<hbm>>
      %dma_start3A_13 = tpu.memref_squeeze %dma_start3A_12 : memref<1x1x79x128xi32, #tpu.memory_space<hbm>> -> memref<79x128xi32, #tpu.memory_space<hbm>>
      tpu.enqueue_dma source(%dma_start3A_13 : memref<79x128xi32, #tpu.memory_space<hbm>>) target(%arg8 : memref<79x128xi32, #tpu.memory_space<vmem>>) target_semaphore(%run_scoped3A : memref<!tpu.dma_semaphore, #tpu.memory_space<semaphore_mem>>)
      %dma_wait3A = arith.constant 0 : i32
      %dma_wait3A_14 = arith.constant 0 : i32
      %dma_wait3A_15 = tpu.memref_slice %arg4[%arg0, %arg1, %dma_wait3A, %dma_wait3A_14] : memref<2x16x79x128xi32, #tpu.memory_space<hbm>> -> memref<1x1x79x128xi32, #tpu.memory_space<hbm>>
      %dma_wait3A_16 = tpu.memref_squeeze %dma_wait3A_15 : memref<1x1x79x128xi32, #tpu.memory_space<hbm>> -> memref<79x128xi32, #tpu.memory_space<hbm>>
      %dma_wait3A_17 = arith.constant 0 : i32
      %dma_wait3A_18 = arith.constant 0 : i32
      %dma_wait3A_19 = tpu.memref_slice %arg4[%arg0, %arg1, %dma_wait3A_17, %dma_wait3A_18] : memref<2x16x79x128xi32, #tpu.memory_space<hbm>> -> memref<1x1x79x128xi32, #tpu.memory_space<hbm>>
      %dma_wait3A_20 = tpu.memref_squeeze %dma_wait3A_19 : memref<1x1x79x128xi32, #tpu.memory_space<hbm>> -> memref<79x128xi32, #tpu.memory_space<hbm>>
      tpu.wait_dma2 semaphore(%run_scoped3A : memref<!tpu.dma_semaphore, #tpu.memory_space<semaphore_mem>>) src(%dma_wait3A_20 : memref<79x128xi32, #tpu.memory_space<hbm>>) dst(%arg8 : memref<79x128xi32, #tpu.memory_space<vmem>>)
      tpu.yield
    }) : () -> ()
    "tpu.region"() ({
      %run_scoped3A = tpu.sem_alloc : memref<!tpu.dma_semaphore, #tpu.memory_space<semaphore_mem>>
      %dma_start3A = arith.constant 0 : i32
      %dma_start3A_7 = tpu.memref_slice %arg10[%mul3A_0, %dma_start3A] : memref<10240x128xf32, #tpu.memory_space<vmem_shared>> -> memref<640x128xf32, #tpu.memory_space<vmem_shared>>
      tpu.enqueue_dma source(%arg5 : memref<640x128xf32, #tpu.memory_space<hbm>>) target(%dma_start3A_7 : memref<640x128xf32, #tpu.memory_space<vmem_shared>>) target_semaphore(%run_scoped3A : memref<!tpu.dma_semaphore, #tpu.memory_space<semaphore_mem>>)
      %dma_wait3A = arith.constant 0 : i32
      %dma_wait3A_8 = tpu.memref_slice %arg10[%mul3A_0, %dma_wait3A] : memref<10240x128xf32, #tpu.memory_space<vmem_shared>> -> memref<640x128xf32, #tpu.memory_space<vmem_shared>>
      tpu.wait_dma2 semaphore(%run_scoped3A : memref<!tpu.dma_semaphore, #tpu.memory_space<semaphore_mem>>) src(%arg5 : memref<640x128xf32, #tpu.memory_space<hbm>>) dst(%dma_wait3A_8 : memref<640x128xf32, #tpu.memory_space<vmem_shared>>)
      tpu.yield
    }) : () -> ()
    %barrier3A = arith.constant 0 : index
    tpu.barrier barrier_id(%barrier3A)
    %scan3A = arith.constant 0 : i32
    %scan3A_1 = arith.constant 0 : i32
    %scan3A_2 = arith.constant 79 : i32
    %scan3A_3 = arith.addi %scan3A_1, %scan3A_2 : i32
    %scan3A_4 = arith.constant 1 : i32
    scf.for %scan3A_7 = %scan3A_1 to %scan3A_3 step %scan3A_4  : i32 {
      %dma_start3A = arith.constant 0 : i32
      %dma_start3A_8 = tpu.memref_slice %arg7[%scan3A_7, %dma_start3A] : memref<79x128xi32, #tpu.memory_space<vmem>> -> memref<1x128xi32, #tpu.memory_space<vmem>>
      %dma_start3A_9 = tpu.memref_squeeze %dma_start3A_8 : memref<1x128xi32, #tpu.memory_space<vmem>> -> memref<128xi32, #tpu.memory_space<vmem>>
      %dma_start3A_10 = arith.constant 0 : i32
      %dma_start3A_11 = arith.constant 0 : i32
      %dma_start3A_12 = tpu.memref_slice %arg2[%dma_start3A_10, %dma_start3A_11] : memref<10240x128xf32, #tpu.memory_space<hbm>> -> memref<10240x128xf32, #tpu.memory_space<hbm>>
      tpu.enqueue_indirect_dma source(%dma_start3A_12 : memref<10240x128xf32, #tpu.memory_space<hbm>>) target(%arg9 : memref<128x128xf32, #tpu.memory_space<vmem>>) offsets(%dma_start3A_9 : memref<128xi32, #tpu.memory_space<vmem>>) semaphore(%arg11 : memref<!tpu.dma_semaphore, #tpu.memory_space<semaphore_mem>>)
      %dma_wait3A = arith.constant 0 : i32
      %dma_wait3A_13 = tpu.memref_slice %arg7[%scan3A_7, %dma_wait3A] : memref<79x128xi32, #tpu.memory_space<vmem>> -> memref<1x128xi32, #tpu.memory_space<vmem>>
      %dma_wait3A_14 = tpu.memref_squeeze %dma_wait3A_13 : memref<1x128xi32, #tpu.memory_space<vmem>> -> memref<128xi32, #tpu.memory_space<vmem>>
      %dma_wait3A_15 = arith.constant 0 : i32
      %dma_wait3A_16 = arith.constant 0 : i32
      %dma_wait3A_17 = tpu.memref_slice %arg2[%dma_wait3A_15, %dma_wait3A_16] : memref<10240x128xf32, #tpu.memory_space<hbm>> -> memref<10240x128xf32, #tpu.memory_space<hbm>>
      tpu.wait_indirect_dma semaphore(%arg11 : memref<!tpu.dma_semaphore, #tpu.memory_space<semaphore_mem>>) src(%dma_wait3A_17 : memref<10240x128xf32, #tpu.memory_space<hbm>>) dst(%arg9 : memref<128x128xf32, #tpu.memory_space<vmem>>)
      "tpu.region"() ({
        %run_scoped3A = tpu.sem_alloc : memref<!tpu.dma_semaphore, #tpu.memory_space<semaphore_mem>>
        %dma_start3A_18 = arith.constant 0 : i32
        %dma_start3A_19 = tpu.memref_slice %arg8[%scan3A_7, %dma_start3A_18] : memref<79x128xi32, #tpu.memory_space<vmem>> -> memref<1x128xi32, #tpu.memory_space<vmem>>
        %dma_start3A_20 = tpu.memref_squeeze %dma_start3A_19 : memref<1x128xi32, #tpu.memory_space<vmem>> -> memref<128xi32, #tpu.memory_space<vmem>>
        %dma_start3A_21 = arith.constant 0 : i32
        %dma_start3A_22 = arith.constant 0 : i32
        %dma_start3A_23 = tpu.memref_slice %arg10[%dma_start3A_21, %dma_start3A_22] : memref<10240x128xf32, #tpu.memory_space<vmem_shared>> -> memref<10240x128xf32, #tpu.memory_space<vmem_shared>>
        tpu.enqueue_indirect_dma source(%arg9 : memref<128x128xf32, #tpu.memory_space<vmem>>) target(%dma_start3A_23 : memref<10240x128xf32, #tpu.memory_space<vmem_shared>>) offsets(%dma_start3A_20 : memref<128xi32, #tpu.memory_space<vmem>>) semaphore(%run_scoped3A : memref<!tpu.dma_semaphore, #tpu.memory_space<semaphore_mem>>) {add = true}
        %dma_wait3A_24 = arith.constant 0 : i32
        %dma_wait3A_25 = tpu.memref_slice %arg8[%scan3A_7, %dma_wait3A_24] : memref<79x128xi32, #tpu.memory_space<vmem>> -> memref<1x128xi32, #tpu.memory_space<vmem>>
        %dma_wait3A_26 = tpu.memref_squeeze %dma_wait3A_25 : memref<1x128xi32, #tpu.memory_space<vmem>> -> memref<128xi32, #tpu.memory_space<vmem>>
        %dma_wait3A_27 = arith.constant 0 : i32
        %dma_wait3A_28 = arith.constant 0 : i32
        %dma_wait3A_29 = tpu.memref_slice %arg10[%dma_wait3A_27, %dma_wait3A_28] : memref<10240x128xf32, #tpu.memory_space<vmem_shared>> -> memref<10240x128xf32, #tpu.memory_space<vmem_shared>>
        tpu.wait_indirect_dma semaphore(%run_scoped3A : memref<!tpu.dma_semaphore, #tpu.memory_space<semaphore_mem>>) src(%arg9 : memref<128x128xf32, #tpu.memory_space<vmem>>) dst(%dma_wait3A_29 : memref<10240x128xf32, #tpu.memory_space<vmem_shared>>)
        tpu.yield
      }) : () -> ()
    }
    %scan3A_5 = arith.constant 79 : i32
    %barrier3A_6 = arith.constant 0 : index
    tpu.barrier barrier_id(%barrier3A_6)
    "tpu.region"() ({
      %run_scoped3A = tpu.sem_alloc : memref<!tpu.dma_semaphore, #tpu.memory_space<semaphore_mem>>
      %dma_start3A = arith.constant 0 : i32
      %dma_start3A_7 = tpu.memref_slice %arg6[%arg0, %mul3A_0, %dma_start3A] : memref<2x10240x128xf32, #tpu.memory_space<hbm>> -> memref<1x640x128xf32, #tpu.memory_space<hbm>>
      %dma_start3A_8 = tpu.memref_squeeze %dma_start3A_7 : memref<1x640x128xf32, #tpu.memory_space<hbm>> -> memref<640x128xf32, #tpu.memory_space<hbm>>
      %dma_start3A_9 = arith.constant 0 : i32
      %dma_start3A_10 = tpu.memref_slice %arg10[%mul3A_0, %dma_start3A_9] : memref<10240x128xf32, #tpu.memory_space<vmem_shared>> -> memref<640x128xf32, #tpu.memory_space<vmem_shared>>
      tpu.enqueue_dma source(%dma_start3A_10 : memref<640x128xf32, #tpu.memory_space<vmem_shared>>) target(%dma_start3A_8 : memref<640x128xf32, #tpu.memory_space<hbm>>) target_semaphore(%run_scoped3A : memref<!tpu.dma_semaphore, #tpu.memory_space<semaphore_mem>>)
      %dma_wait3A = arith.constant 0 : i32
      %dma_wait3A_11 = tpu.memref_slice %arg6[%arg0, %mul3A_0, %dma_wait3A] : memref<2x10240x128xf32, #tpu.memory_space<hbm>> -> memref<1x640x128xf32, #tpu.memory_space<hbm>>
      %dma_wait3A_12 = tpu.memref_squeeze %dma_wait3A_11 : memref<1x640x128xf32, #tpu.memory_space<hbm>> -> memref<640x128xf32, #tpu.memory_space<hbm>>
      %dma_wait3A_13 = arith.constant 0 : i32
      %dma_wait3A_14 = tpu.memref_slice %arg10[%mul3A_0, %dma_wait3A_13] : memref<10240x128xf32, #tpu.memory_space<vmem_shared>> -> memref<640x128xf32, #tpu.memory_space<vmem_shared>>
      tpu.wait_dma2 semaphore(%run_scoped3A : memref<!tpu.dma_semaphore, #tpu.memory_space<semaphore_mem>>) src(%dma_wait3A_14 : memref<640x128xf32, #tpu.memory_space<vmem_shared>>) dst(%dma_wait3A_12 : memref<640x128xf32, #tpu.memory_space<hbm>>)
      tpu.yield
    }) : () -> ()
    return
  }
}

#map = affine_map<(d0, d1) -> (0, 0)>
#map1 = affine_map<(d0, d1) -> (0, 0, 0, 0)>
#map2 = affine_map<(d0, d1) -> (0, 0, 0)>
module attributes {stable_mosaic.version = 14 : i64} {
  func.func @k(%arg0: i32, %arg1: i32, %arg2: memref<20480x128xf32, #tpu.memory_space<hbm>>, %arg3: memref<2x16x79x128xi32, #tpu.memory_space<hbm>>, %arg4: memref<2x16x79x128xi32, #tpu.memory_space<hbm>>, %arg5: memref<640x128xf32, #tpu.memory_space<hbm>>, %arg6: memref<2x10240x128xf32, #tpu.memory_space<hbm>>, %arg7: memref<79x128xi32, #tpu.memory_space<vmem>>, %arg8: memref<79x128xi32, #tpu.memory_space<vmem>>, %arg9: memref<128x128xf32, #tpu.memory_space<vmem>>, %arg10: memref<10240x128xf32, #tpu.memory_space<vmem_shared>>, %arg11: memref<!tpu.dma_semaphore, #tpu.memory_space<semaphore_mem>>) attributes {dimension_semantics = [#tpu.dimension_semantics<core_parallel>, #tpu.dimension_semantics<subcore_parallel>], iteration_bounds = array<i64: 2, 16>, scalar_prefetch = 0 : i64, scratch_operands = 5 : i64, tpu.core_type = #tpu.core_type<sc_vector_subcore>, window_params = [{transform_indices = #map}, {transform_indices = #map1}, {transform_indices = #map1}, {transform_indices = #map}, {transform_indices = #map2}]} {
    %mul3A = arith.constant 640 : i32
    %mul3A_0 = arith.muli %arg1, %mul3A : i32
    "tpu.region"() ({
      %run_scoped3A = tpu.sem_alloc : memref<!tpu.dma_semaphore, #tpu.memory_space<semaphore_mem>>
      %dma_start3A = arith.constant 0 : i32
      %dma_start3A_7 = arith.constant 0 : i32
      %dma_start3A_8 = tpu.memref_slice %arg3[%arg0, %arg1, %dma_start3A, %dma_start3A_7] : memref<2x16x79x128xi32, #tpu.memory_space<hbm>> -> memref<1x1x79x128xi32, #tpu.memory_space<hbm>>
      %dma_start3A_9 = tpu.memref_squeeze %dma_start3A_8 : memref<1x1x79x128xi32, #tpu.memory_space<hbm>> -> memref<79x128xi32, #tpu.memory_space<hbm>>
      %dma_start3A_10 = arith.constant 0 : i32
      %dma_start3A_11 = arith.constant 0 : i32
      %dma_start3A_12 = tpu.memref_slice %arg3[%arg0, %arg1, %dma_start3A_10, %dma_start3A_11] : memref<2x16x79x128xi32, #tpu.memory_space<hbm>> -> memref<1x1x79x128xi32, #tpu.memory_space<hbm>>
      %dma_start3A_13 = tpu.memref_squeeze %dma_start3A_12 : memref<1x1x79x128xi32, #tpu.memory_space<hbm>> -> memref<79x128xi32, #tpu.memory_space<hbm>>
      tpu.enqueue_dma source(%dma_start3A_13 : memref<79x128xi32, #tpu.memory_space<hbm>>) target(%arg7 : memref<79x128xi32, #tpu.memory_space<vmem>>) target_semaphore(%run_scoped3A : memref<!tpu.dma_semaphore, #tpu.memory_space<semaphore_mem>>)
      %dma_wait3A = arith.constant 0 : i32
      %dma_wait3A_14 = arith.constant 0 : i32
      %dma_wait3A_15 = tpu.memref_slice %arg3[%arg0, %arg1, %dma_wait3A, %dma_wait3A_14] : memref<2x16x79x128xi32, #tpu.memory_space<hbm>> -> memref<1x1x79x128xi32, #tpu.memory_space<hbm>>
      %dma_wait3A_16 = tpu.memref_squeeze %dma_wait3A_15 : memref<1x1x79x128xi32, #tpu.memory_space<hbm>> -> memref<79x128xi32, #tpu.memory_space<hbm>>
      %dma_wait3A_17 = arith.constant 0 : i32
      %dma_wait3A_18 = arith.constant 0 : i32
      %dma_wait3A_19 = tpu.memref_slice %arg3[%arg0, %arg1, %dma_wait3A_17, %dma_wait3A_18] : memref<2x16x79x128xi32, #tpu.memory_space<hbm>> -> memref<1x1x79x128xi32, #tpu.memory_space<hbm>>
      %dma_wait3A_20 = tpu.memref_squeeze %dma_wait3A_19 : memref<1x1x79x128xi32, #tpu.memory_space<hbm>> -> memref<79x128xi32, #tpu.memory_space<hbm>>
      tpu.wait_dma2 semaphore(%run_scoped3A : memref<!tpu.dma_semaphore, #tpu.memory_space<semaphore_mem>>) src(%dma_wait3A_20 : memref<79x128xi32, #tpu.memory_space<hbm>>) dst(%arg7 : memref<79x128xi32, #tpu.memory_space<vmem>>)
      tpu.yield
    }) : () -> ()
    "tpu.region"() ({
      %run_scoped3A = tpu.sem_alloc : memref<!tpu.dma_semaphore, #tpu.memory_space<semaphore_mem>>
      %dma_start3A = arith.constant 0 : i32
      %dma_start3A_7 = arith.constant 0 : i32
      %dma_start3A_8 = tpu.memref_slice %arg4[%arg0, %arg1, %dma_start3A, %dma_start3A_7] : memref<2x16x79x128xi32, #tpu.memory_space<hbm>> -> memref<1x1x79x128xi32, #tpu.memory_space<hbm>>
      %dma_start3A_9 = tpu.memref_squeeze %dma_start3A_8 : memref<1x1x79x128xi32, #tpu.memory_space<hbm>> -> memref<79x128xi32, #tpu.memory_space<hbm>>
      %dma_start3A_10 = arith.constant 0 : i32
      %dma_start3A_11 = arith.constant 0 : i32
      %dma_start3A_12 = tpu.memref_slice %arg4[%arg0, %arg1, %dma_start3A_10, %dma_start3A_11] : memref<2x16x79x128xi32, #tpu.memory_space<hbm>> -> memref<1x1x79x128xi32, #tpu.memory_space<hbm>>
      %dma_start3A_13 = tpu.memref_squeeze %dma_start3A_12 : memref<1x1x79x128xi32, #tpu.memory_space<hbm>> -> memref<79x128xi32, #tpu.memory_space<hbm>>
      tpu.enqueue_dma source(%dma_start3A_13 : memref<79x128xi32, #tpu.memory_space<hbm>>) target(%arg8 : memref<79x128xi32, #tpu.memory_space<vmem>>) target_semaphore(%run_scoped3A : memref<!tpu.dma_semaphore, #tpu.memory_space<semaphore_mem>>)
      %dma_wait3A = arith.constant 0 : i32
      %dma_wait3A_14 = arith.constant 0 : i32
      %dma_wait3A_15 = tpu.memref_slice %arg4[%arg0, %arg1, %dma_wait3A, %dma_wait3A_14] : memref<2x16x79x128xi32, #tpu.memory_space<hbm>> -> memref<1x1x79x128xi32, #tpu.memory_space<hbm>>
      %dma_wait3A_16 = tpu.memref_squeeze %dma_wait3A_15 : memref<1x1x79x128xi32, #tpu.memory_space<hbm>> -> memref<79x128xi32, #tpu.memory_space<hbm>>
      %dma_wait3A_17 = arith.constant 0 : i32
      %dma_wait3A_18 = arith.constant 0 : i32
      %dma_wait3A_19 = tpu.memref_slice %arg4[%arg0, %arg1, %dma_wait3A_17, %dma_wait3A_18] : memref<2x16x79x128xi32, #tpu.memory_space<hbm>> -> memref<1x1x79x128xi32, #tpu.memory_space<hbm>>
      %dma_wait3A_20 = tpu.memref_squeeze %dma_wait3A_19 : memref<1x1x79x128xi32, #tpu.memory_space<hbm>> -> memref<79x128xi32, #tpu.memory_space<hbm>>
      tpu.wait_dma2 semaphore(%run_scoped3A : memref<!tpu.dma_semaphore, #tpu.memory_space<semaphore_mem>>) src(%dma_wait3A_20 : memref<79x128xi32, #tpu.memory_space<hbm>>) dst(%arg8 : memref<79x128xi32, #tpu.memory_space<vmem>>)
      tpu.yield
    }) : () -> ()
    "tpu.region"() ({
      %run_scoped3A = tpu.sem_alloc : memref<!tpu.dma_semaphore, #tpu.memory_space<semaphore_mem>>
      %dma_start3A = arith.constant 0 : i32
      %dma_start3A_7 = tpu.memref_slice %arg10[%mul3A_0, %dma_start3A] : memref<10240x128xf32, #tpu.memory_space<vmem_shared>> -> memref<640x128xf32, #tpu.memory_space<vmem_shared>>
      tpu.enqueue_dma source(%arg5 : memref<640x128xf32, #tpu.memory_space<hbm>>) target(%dma_start3A_7 : memref<640x128xf32, #tpu.memory_space<vmem_shared>>) target_semaphore(%run_scoped3A : memref<!tpu.dma_semaphore, #tpu.memory_space<semaphore_mem>>)
      %dma_wait3A = arith.constant 0 : i32
      %dma_wait3A_8 = tpu.memref_slice %arg10[%mul3A_0, %dma_wait3A] : memref<10240x128xf32, #tpu.memory_space<vmem_shared>> -> memref<640x128xf32, #tpu.memory_space<vmem_shared>>
      tpu.wait_dma2 semaphore(%run_scoped3A : memref<!tpu.dma_semaphore, #tpu.memory_space<semaphore_mem>>) src(%arg5 : memref<640x128xf32, #tpu.memory_space<hbm>>) dst(%dma_wait3A_8 : memref<640x128xf32, #tpu.memory_space<vmem_shared>>)
      tpu.yield
    }) : () -> ()
    %barrier3A = arith.constant 0 : index
    tpu.barrier barrier_id(%barrier3A)
    %scan3A = arith.constant 0 : i32
    %scan3A_1 = arith.constant 0 : i32
    %scan3A_2 = arith.constant 79 : i32
    %scan3A_3 = arith.addi %scan3A_1, %scan3A_2 : i32
    %scan3A_4 = arith.constant 1 : i32
    scf.for %scan3A_7 = %scan3A_1 to %scan3A_3 step %scan3A_4  : i32 {
      %dma_start3A = arith.constant 0 : i32
      %dma_start3A_8 = tpu.memref_slice %arg7[%scan3A_7, %dma_start3A] : memref<79x128xi32, #tpu.memory_space<vmem>> -> memref<1x128xi32, #tpu.memory_space<vmem>>
      %dma_start3A_9 = tpu.memref_squeeze %dma_start3A_8 : memref<1x128xi32, #tpu.memory_space<vmem>> -> memref<128xi32, #tpu.memory_space<vmem>>
      %dma_start3A_10 = arith.constant 0 : i32
      %dma_start3A_11 = arith.constant 0 : i32
      %dma_start3A_12 = tpu.memref_slice %arg2[%dma_start3A_10, %dma_start3A_11] : memref<20480x128xf32, #tpu.memory_space<hbm>> -> memref<20480x128xf32, #tpu.memory_space<hbm>>
      tpu.enqueue_indirect_dma source(%dma_start3A_12 : memref<20480x128xf32, #tpu.memory_space<hbm>>) target(%arg9 : memref<128x128xf32, #tpu.memory_space<vmem>>) offsets(%dma_start3A_9 : memref<128xi32, #tpu.memory_space<vmem>>) semaphore(%arg11 : memref<!tpu.dma_semaphore, #tpu.memory_space<semaphore_mem>>)
      %dma_wait3A = arith.constant 0 : i32
      %dma_wait3A_13 = tpu.memref_slice %arg7[%scan3A_7, %dma_wait3A] : memref<79x128xi32, #tpu.memory_space<vmem>> -> memref<1x128xi32, #tpu.memory_space<vmem>>
      %dma_wait3A_14 = tpu.memref_squeeze %dma_wait3A_13 : memref<1x128xi32, #tpu.memory_space<vmem>> -> memref<128xi32, #tpu.memory_space<vmem>>
      %dma_wait3A_15 = arith.constant 0 : i32
      %dma_wait3A_16 = arith.constant 0 : i32
      %dma_wait3A_17 = tpu.memref_slice %arg2[%dma_wait3A_15, %dma_wait3A_16] : memref<20480x128xf32, #tpu.memory_space<hbm>> -> memref<20480x128xf32, #tpu.memory_space<hbm>>
      tpu.wait_indirect_dma semaphore(%arg11 : memref<!tpu.dma_semaphore, #tpu.memory_space<semaphore_mem>>) src(%dma_wait3A_17 : memref<20480x128xf32, #tpu.memory_space<hbm>>) dst(%arg9 : memref<128x128xf32, #tpu.memory_space<vmem>>)
      "tpu.region"() ({
        %run_scoped3A = tpu.sem_alloc : memref<!tpu.dma_semaphore, #tpu.memory_space<semaphore_mem>>
        %dma_start3A_18 = arith.constant 0 : i32
        %dma_start3A_19 = tpu.memref_slice %arg8[%scan3A_7, %dma_start3A_18] : memref<79x128xi32, #tpu.memory_space<vmem>> -> memref<1x128xi32, #tpu.memory_space<vmem>>
        %dma_start3A_20 = tpu.memref_squeeze %dma_start3A_19 : memref<1x128xi32, #tpu.memory_space<vmem>> -> memref<128xi32, #tpu.memory_space<vmem>>
        %dma_start3A_21 = arith.constant 0 : i32
        %dma_start3A_22 = arith.constant 0 : i32
        %dma_start3A_23 = tpu.memref_slice %arg10[%dma_start3A_21, %dma_start3A_22] : memref<10240x128xf32, #tpu.memory_space<vmem_shared>> -> memref<10240x128xf32, #tpu.memory_space<vmem_shared>>
        tpu.enqueue_indirect_dma source(%arg9 : memref<128x128xf32, #tpu.memory_space<vmem>>) target(%dma_start3A_23 : memref<10240x128xf32, #tpu.memory_space<vmem_shared>>) offsets(%dma_start3A_20 : memref<128xi32, #tpu.memory_space<vmem>>) semaphore(%run_scoped3A : memref<!tpu.dma_semaphore, #tpu.memory_space<semaphore_mem>>) {add = true}
        %dma_wait3A_24 = arith.constant 0 : i32
        %dma_wait3A_25 = tpu.memref_slice %arg8[%scan3A_7, %dma_wait3A_24] : memref<79x128xi32, #tpu.memory_space<vmem>> -> memref<1x128xi32, #tpu.memory_space<vmem>>
        %dma_wait3A_26 = tpu.memref_squeeze %dma_wait3A_25 : memref<1x128xi32, #tpu.memory_space<vmem>> -> memref<128xi32, #tpu.memory_space<vmem>>
        %dma_wait3A_27 = arith.constant 0 : i32
        %dma_wait3A_28 = arith.constant 0 : i32
        %dma_wait3A_29 = tpu.memref_slice %arg10[%dma_wait3A_27, %dma_wait3A_28] : memref<10240x128xf32, #tpu.memory_space<vmem_shared>> -> memref<10240x128xf32, #tpu.memory_space<vmem_shared>>
        tpu.wait_indirect_dma semaphore(%run_scoped3A : memref<!tpu.dma_semaphore, #tpu.memory_space<semaphore_mem>>) src(%arg9 : memref<128x128xf32, #tpu.memory_space<vmem>>) dst(%dma_wait3A_29 : memref<10240x128xf32, #tpu.memory_space<vmem_shared>>)
        tpu.yield
      }) : () -> ()
    }
    %scan3A_5 = arith.constant 79 : i32
    %barrier3A_6 = arith.constant 0 : index
    tpu.barrier barrier_id(%barrier3A_6)
    "tpu.region"() ({
      %run_scoped3A = tpu.sem_alloc : memref<!tpu.dma_semaphore, #tpu.memory_space<semaphore_mem>>
      %dma_start3A = arith.constant 0 : i32
      %dma_start3A_7 = tpu.memref_slice %arg6[%arg0, %mul3A_0, %dma_start3A] : memref<2x10240x128xf32, #tpu.memory_space<hbm>> -> memref<1x640x128xf32, #tpu.memory_space<hbm>>
      %dma_start3A_8 = tpu.memref_squeeze %dma_start3A_7 : memref<1x640x128xf32, #tpu.memory_space<hbm>> -> memref<640x128xf32, #tpu.memory_space<hbm>>
      %dma_start3A_9 = arith.constant 0 : i32
      %dma_start3A_10 = tpu.memref_slice %arg10[%mul3A_0, %dma_start3A_9] : memref<10240x128xf32, #tpu.memory_space<vmem_shared>> -> memref<640x128xf32, #tpu.memory_space<vmem_shared>>
      tpu.enqueue_dma source(%dma_start3A_10 : memref<640x128xf32, #tpu.memory_space<vmem_shared>>) target(%dma_start3A_8 : memref<640x128xf32, #tpu.memory_space<hbm>>) target_semaphore(%run_scoped3A : memref<!tpu.dma_semaphore, #tpu.memory_space<semaphore_mem>>)
      %dma_wait3A = arith.constant 0 : i32
      %dma_wait3A_11 = tpu.memref_slice %arg6[%arg0, %mul3A_0, %dma_wait3A] : memref<2x10240x128xf32, #tpu.memory_space<hbm>> -> memref<1x640x128xf32, #tpu.memory_space<hbm>>
      %dma_wait3A_12 = tpu.memref_squeeze %dma_wait3A_11 : memref<1x640x128xf32, #tpu.memory_space<hbm>> -> memref<640x128xf32, #tpu.memory_space<hbm>>
      %dma_wait3A_13 = arith.constant 0 : i32
      %dma_wait3A_14 = tpu.memref_slice %arg10[%mul3A_0, %dma_wait3A_13] : memref<10240x128xf32, #tpu.memory_space<vmem_shared>> -> memref<640x128xf32, #tpu.memory_space<vmem_shared>>
      tpu.wait_dma2 semaphore(%run_scoped3A : memref<!tpu.dma_semaphore, #tpu.memory_space<semaphore_mem>>) src(%dma_wait3A_14 : memref<640x128xf32, #tpu.memory_space<vmem_shared>>) dst(%dma_wait3A_12 : memref<640x128xf32, #tpu.memory_space<hbm>>)
      tpu.yield
    }) : () -> ()
    return
  }
}

#map = affine_map<(d0, d1) -> (0, 0)>
#map1 = affine_map<(d0, d1) -> (0, 0, 0, 0)>
#map2 = affine_map<(d0, d1) -> (0, 0, 0)>
module attributes {stable_mosaic.version = 14 : i64} {
  func.func @k(%arg0: i32, %arg1: i32, %arg2: memref<10240x128xf32, #tpu.memory_space<hbm>>, %arg3: memref<2x16x79x128xi32, #tpu.memory_space<hbm>>, %arg4: memref<2x16x79x128xi32, #tpu.memory_space<hbm>>, %arg5: memref<640x128xf32, #tpu.memory_space<hbm>>, %arg6: memref<2x10240x128xf32, #tpu.memory_space<hbm>>, %arg7: memref<79x128xi32, #tpu.memory_space<vmem>>, %arg8: memref<79x128xi32, #tpu.memory_space<vmem>>, %arg9: memref<128x128xf32, #tpu.memory_space<vmem>>, %arg10: memref<10240x128xf32, #tpu.memory_space<vmem_shared>>, %arg11: memref<!tpu.dma_semaphore, #tpu.memory_space<semaphore_mem>>) attributes {dimension_semantics = [#tpu.dimension_semantics<core_parallel>, #tpu.dimension_semantics<subcore_parallel>], iteration_bounds = array<i64: 2, 16>, scalar_prefetch = 0 : i64, scratch_operands = 5 : i64, tpu.core_type = #tpu.core_type<sc_vector_subcore>, window_params = [{transform_indices = #map}, {transform_indices = #map1}, {transform_indices = #map1}, {transform_indices = #map}, {transform_indices = #map2}]} {
    %mul3A = arith.constant 640 : i32
    %mul3A_0 = arith.muli %arg1, %mul3A : i32
    "tpu.region"() ({
      %run_scoped3A = tpu.sem_alloc : memref<!tpu.dma_semaphore, #tpu.memory_space<semaphore_mem>>
      %dma_start3A = arith.constant 0 : i32
      %dma_start3A_7 = arith.constant 0 : i32
      %dma_start3A_8 = tpu.memref_slice %arg3[%arg0, %arg1, %dma_start3A, %dma_start3A_7] : memref<2x16x79x128xi32, #tpu.memory_space<hbm>> -> memref<1x1x79x128xi32, #tpu.memory_space<hbm>>
      %dma_start3A_9 = tpu.memref_squeeze %dma_start3A_8 : memref<1x1x79x128xi32, #tpu.memory_space<hbm>> -> memref<79x128xi32, #tpu.memory_space<hbm>>
      %dma_start3A_10 = arith.constant 0 : i32
      %dma_start3A_11 = arith.constant 0 : i32
      %dma_start3A_12 = tpu.memref_slice %arg3[%arg0, %arg1, %dma_start3A_10, %dma_start3A_11] : memref<2x16x79x128xi32, #tpu.memory_space<hbm>> -> memref<1x1x79x128xi32, #tpu.memory_space<hbm>>
      %dma_start3A_13 = tpu.memref_squeeze %dma_start3A_12 : memref<1x1x79x128xi32, #tpu.memory_space<hbm>> -> memref<79x128xi32, #tpu.memory_space<hbm>>
      tpu.enqueue_dma source(%dma_start3A_13 : memref<79x128xi32, #tpu.memory_space<hbm>>) target(%arg7 : memref<79x128xi32, #tpu.memory_space<vmem>>) target_semaphore(%run_scoped3A : memref<!tpu.dma_semaphore, #tpu.memory_space<semaphore_mem>>)
      %dma_wait3A = arith.constant 0 : i32
      %dma_wait3A_14 = arith.constant 0 : i32
      %dma_wait3A_15 = tpu.memref_slice %arg3[%arg0, %arg1, %dma_wait3A, %dma_wait3A_14] : memref<2x16x79x128xi32, #tpu.memory_space<hbm>> -> memref<1x1x79x128xi32, #tpu.memory_space<hbm>>
      %dma_wait3A_16 = tpu.memref_squeeze %dma_wait3A_15 : memref<1x1x79x128xi32, #tpu.memory_space<hbm>> -> memref<79x128xi32, #tpu.memory_space<hbm>>
      %dma_wait3A_17 = arith.constant 0 : i32
      %dma_wait3A_18 = arith.constant 0 : i32
      %dma_wait3A_19 = tpu.memref_slice %arg3[%arg0, %arg1, %dma_wait3A_17, %dma_wait3A_18] : memref<2x16x79x128xi32, #tpu.memory_space<hbm>> -> memref<1x1x79x128xi32, #tpu.memory_space<hbm>>
      %dma_wait3A_20 = tpu.memref_squeeze %dma_wait3A_19 : memref<1x1x79x128xi32, #tpu.memory_space<hbm>> -> memref<79x128xi32, #tpu.memory_space<hbm>>
      tpu.wait_dma2 semaphore(%run_scoped3A : memref<!tpu.dma_semaphore, #tpu.memory_space<semaphore_mem>>) src(%dma_wait3A_20 : memref<79x128xi32, #tpu.memory_space<hbm>>) dst(%arg7 : memref<79x128xi32, #tpu.memory_space<vmem>>)
      tpu.yield
    }) : () -> ()
    "tpu.region"() ({
      %run_scoped3A = tpu.sem_alloc : memref<!tpu.dma_semaphore, #tpu.memory_space<semaphore_mem>>
      %dma_start3A = arith.constant 0 : i32
      %dma_start3A_7 = arith.constant 0 : i32
      %dma_start3A_8 = tpu.memref_slice %arg4[%arg0, %arg1, %dma_start3A, %dma_start3A_7] : memref<2x16x79x128xi32, #tpu.memory_space<hbm>> -> memref<1x1x79x128xi32, #tpu.memory_space<hbm>>
      %dma_start3A_9 = tpu.memref_squeeze %dma_start3A_8 : memref<1x1x79x128xi32, #tpu.memory_space<hbm>> -> memref<79x128xi32, #tpu.memory_space<hbm>>
      %dma_start3A_10 = arith.constant 0 : i32
      %dma_start3A_11 = arith.constant 0 : i32
      %dma_start3A_12 = tpu.memref_slice %arg4[%arg0, %arg1, %dma_start3A_10, %dma_start3A_11] : memref<2x16x79x128xi32, #tpu.memory_space<hbm>> -> memref<1x1x79x128xi32, #tpu.memory_space<hbm>>
      %dma_start3A_13 = tpu.memref_squeeze %dma_start3A_12 : memref<1x1x79x128xi32, #tpu.memory_space<hbm>> -> memref<79x128xi32, #tpu.memory_space<hbm>>
      tpu.enqueue_dma source(%dma_start3A_13 : memref<79x128xi32, #tpu.memory_space<hbm>>) target(%arg8 : memref<79x128xi32, #tpu.memory_space<vmem>>) target_semaphore(%run_scoped3A : memref<!tpu.dma_semaphore, #tpu.memory_space<semaphore_mem>>)
      %dma_wait3A = arith.constant 0 : i32
      %dma_wait3A_14 = arith.constant 0 : i32
      %dma_wait3A_15 = tpu.memref_slice %arg4[%arg0, %arg1, %dma_wait3A, %dma_wait3A_14] : memref<2x16x79x128xi32, #tpu.memory_space<hbm>> -> memref<1x1x79x128xi32, #tpu.memory_space<hbm>>
      %dma_wait3A_16 = tpu.memref_squeeze %dma_wait3A_15 : memref<1x1x79x128xi32, #tpu.memory_space<hbm>> -> memref<79x128xi32, #tpu.memory_space<hbm>>
      %dma_wait3A_17 = arith.constant 0 : i32
      %dma_wait3A_18 = arith.constant 0 : i32
      %dma_wait3A_19 = tpu.memref_slice %arg4[%arg0, %arg1, %dma_wait3A_17, %dma_wait3A_18] : memref<2x16x79x128xi32, #tpu.memory_space<hbm>> -> memref<1x1x79x128xi32, #tpu.memory_space<hbm>>
      %dma_wait3A_20 = tpu.memref_squeeze %dma_wait3A_19 : memref<1x1x79x128xi32, #tpu.memory_space<hbm>> -> memref<79x128xi32, #tpu.memory_space<hbm>>
      tpu.wait_dma2 semaphore(%run_scoped3A : memref<!tpu.dma_semaphore, #tpu.memory_space<semaphore_mem>>) src(%dma_wait3A_20 : memref<79x128xi32, #tpu.memory_space<hbm>>) dst(%arg8 : memref<79x128xi32, #tpu.memory_space<vmem>>)
      tpu.yield
    }) : () -> ()
    "tpu.region"() ({
      %run_scoped3A = tpu.sem_alloc : memref<!tpu.dma_semaphore, #tpu.memory_space<semaphore_mem>>
      %dma_start3A = arith.constant 0 : i32
      %dma_start3A_7 = tpu.memref_slice %arg10[%mul3A_0, %dma_start3A] : memref<10240x128xf32, #tpu.memory_space<vmem_shared>> -> memref<640x128xf32, #tpu.memory_space<vmem_shared>>
      tpu.enqueue_dma source(%arg5 : memref<640x128xf32, #tpu.memory_space<hbm>>) target(%dma_start3A_7 : memref<640x128xf32, #tpu.memory_space<vmem_shared>>) target_semaphore(%run_scoped3A : memref<!tpu.dma_semaphore, #tpu.memory_space<semaphore_mem>>)
      %dma_wait3A = arith.constant 0 : i32
      %dma_wait3A_8 = tpu.memref_slice %arg10[%mul3A_0, %dma_wait3A] : memref<10240x128xf32, #tpu.memory_space<vmem_shared>> -> memref<640x128xf32, #tpu.memory_space<vmem_shared>>
      tpu.wait_dma2 semaphore(%run_scoped3A : memref<!tpu.dma_semaphore, #tpu.memory_space<semaphore_mem>>) src(%arg5 : memref<640x128xf32, #tpu.memory_space<hbm>>) dst(%dma_wait3A_8 : memref<640x128xf32, #tpu.memory_space<vmem_shared>>)
      tpu.yield
    }) : () -> ()
    %barrier3A = arith.constant 0 : index
    tpu.barrier barrier_id(%barrier3A)
    %scan3A = arith.constant 0 : i32
    %scan3A_1 = arith.constant 0 : i32
    %scan3A_2 = arith.constant 79 : i32
    %scan3A_3 = arith.addi %scan3A_1, %scan3A_2 : i32
    %scan3A_4 = arith.constant 1 : i32
    scf.for %scan3A_7 = %scan3A_1 to %scan3A_3 step %scan3A_4  : i32 {
      %dma_start3A = arith.constant 0 : i32
      %dma_start3A_8 = tpu.memref_slice %arg7[%scan3A_7, %dma_start3A] : memref<79x128xi32, #tpu.memory_space<vmem>> -> memref<1x128xi32, #tpu.memory_space<vmem>>
      %dma_start3A_9 = tpu.memref_squeeze %dma_start3A_8 : memref<1x128xi32, #tpu.memory_space<vmem>> -> memref<128xi32, #tpu.memory_space<vmem>>
      %dma_start3A_10 = arith.constant 0 : i32
      %dma_start3A_11 = arith.constant 0 : i32
      %dma_start3A_12 = tpu.memref_slice %arg2[%dma_start3A_10, %dma_start3A_11] : memref<10240x128xf32, #tpu.memory_space<hbm>> -> memref<10240x128xf32, #tpu.memory_space<hbm>>
      tpu.enqueue_indirect_dma source(%dma_start3A_12 : memref<10240x128xf32, #tpu.memory_space<hbm>>) target(%arg9 : memref<128x128xf32, #tpu.memory_space<vmem>>) offsets(%dma_start3A_9 : memref<128xi32, #tpu.memory_space<vmem>>) semaphore(%arg11 : memref<!tpu.dma_semaphore, #tpu.memory_space<semaphore_mem>>)
      %dma_wait3A = arith.constant 0 : i32
      %dma_wait3A_13 = tpu.memref_slice %arg7[%scan3A_7, %dma_wait3A] : memref<79x128xi32, #tpu.memory_space<vmem>> -> memref<1x128xi32, #tpu.memory_space<vmem>>
      %dma_wait3A_14 = tpu.memref_squeeze %dma_wait3A_13 : memref<1x128xi32, #tpu.memory_space<vmem>> -> memref<128xi32, #tpu.memory_space<vmem>>
      %dma_wait3A_15 = arith.constant 0 : i32
      %dma_wait3A_16 = arith.constant 0 : i32
      %dma_wait3A_17 = tpu.memref_slice %arg2[%dma_wait3A_15, %dma_wait3A_16] : memref<10240x128xf32, #tpu.memory_space<hbm>> -> memref<10240x128xf32, #tpu.memory_space<hbm>>
      tpu.wait_indirect_dma semaphore(%arg11 : memref<!tpu.dma_semaphore, #tpu.memory_space<semaphore_mem>>) src(%dma_wait3A_17 : memref<10240x128xf32, #tpu.memory_space<hbm>>) dst(%arg9 : memref<128x128xf32, #tpu.memory_space<vmem>>)
      "tpu.region"() ({
        %run_scoped3A = tpu.sem_alloc : memref<!tpu.dma_semaphore, #tpu.memory_space<semaphore_mem>>
        %dma_start3A_18 = arith.constant 0 : i32
        %dma_start3A_19 = tpu.memref_slice %arg8[%scan3A_7, %dma_start3A_18] : memref<79x128xi32, #tpu.memory_space<vmem>> -> memref<1x128xi32, #tpu.memory_space<vmem>>
        %dma_start3A_20 = tpu.memref_squeeze %dma_start3A_19 : memref<1x128xi32, #tpu.memory_space<vmem>> -> memref<128xi32, #tpu.memory_space<vmem>>
        %dma_start3A_21 = arith.constant 0 : i32
        %dma_start3A_22 = arith.constant 0 : i32
        %dma_start3A_23 = tpu.memref_slice %arg10[%dma_start3A_21, %dma_start3A_22] : memref<10240x128xf32, #tpu.memory_space<vmem_shared>> -> memref<10240x128xf32, #tpu.memory_space<vmem_shared>>
        tpu.enqueue_indirect_dma source(%arg9 : memref<128x128xf32, #tpu.memory_space<vmem>>) target(%dma_start3A_23 : memref<10240x128xf32, #tpu.memory_space<vmem_shared>>) offsets(%dma_start3A_20 : memref<128xi32, #tpu.memory_space<vmem>>) semaphore(%run_scoped3A : memref<!tpu.dma_semaphore, #tpu.memory_space<semaphore_mem>>) {add = true}
        %dma_wait3A_24 = arith.constant 0 : i32
        %dma_wait3A_25 = tpu.memref_slice %arg8[%scan3A_7, %dma_wait3A_24] : memref<79x128xi32, #tpu.memory_space<vmem>> -> memref<1x128xi32, #tpu.memory_space<vmem>>
        %dma_wait3A_26 = tpu.memref_squeeze %dma_wait3A_25 : memref<1x128xi32, #tpu.memory_space<vmem>> -> memref<128xi32, #tpu.memory_space<vmem>>
        %dma_wait3A_27 = arith.constant 0 : i32
        %dma_wait3A_28 = arith.constant 0 : i32
        %dma_wait3A_29 = tpu.memref_slice %arg10[%dma_wait3A_27, %dma_wait3A_28] : memref<10240x128xf32, #tpu.memory_space<vmem_shared>> -> memref<10240x128xf32, #tpu.memory_space<vmem_shared>>
        tpu.wait_indirect_dma semaphore(%run_scoped3A : memref<!tpu.dma_semaphore, #tpu.memory_space<semaphore_mem>>) src(%arg9 : memref<128x128xf32, #tpu.memory_space<vmem>>) dst(%dma_wait3A_29 : memref<10240x128xf32, #tpu.memory_space<vmem_shared>>)
        tpu.yield
      }) : () -> ()
    }
    %scan3A_5 = arith.constant 79 : i32
    %barrier3A_6 = arith.constant 0 : index
    tpu.barrier barrier_id(%barrier3A_6)
    "tpu.region"() ({
      %run_scoped3A = tpu.sem_alloc : memref<!tpu.dma_semaphore, #tpu.memory_space<semaphore_mem>>
      %dma_start3A = arith.constant 0 : i32
      %dma_start3A_7 = tpu.memref_slice %arg6[%arg0, %mul3A_0, %dma_start3A] : memref<2x10240x128xf32, #tpu.memory_space<hbm>> -> memref<1x640x128xf32, #tpu.memory_space<hbm>>
      %dma_start3A_8 = tpu.memref_squeeze %dma_start3A_7 : memref<1x640x128xf32, #tpu.memory_space<hbm>> -> memref<640x128xf32, #tpu.memory_space<hbm>>
      %dma_start3A_9 = arith.constant 0 : i32
      %dma_start3A_10 = tpu.memref_slice %arg10[%mul3A_0, %dma_start3A_9] : memref<10240x128xf32, #tpu.memory_space<vmem_shared>> -> memref<640x128xf32, #tpu.memory_space<vmem_shared>>
      tpu.enqueue_dma source(%dma_start3A_10 : memref<640x128xf32, #tpu.memory_space<vmem_shared>>) target(%dma_start3A_8 : memref<640x128xf32, #tpu.memory_space<hbm>>) target_semaphore(%run_scoped3A : memref<!tpu.dma_semaphore, #tpu.memory_space<semaphore_mem>>)
      %dma_wait3A = arith.constant 0 : i32
      %dma_wait3A_11 = tpu.memref_slice %arg6[%arg0, %mul3A_0, %dma_wait3A] : memref<2x10240x128xf32, #tpu.memory_space<hbm>> -> memref<1x640x128xf32, #tpu.memory_space<hbm>>
      %dma_wait3A_12 = tpu.memref_squeeze %dma_wait3A_11 : memref<1x640x128xf32, #tpu.memory_space<hbm>> -> memref<640x128xf32, #tpu.memory_space<hbm>>
      %dma_wait3A_13 = arith.constant 0 : i32
      %dma_wait3A_14 = tpu.memref_slice %arg10[%mul3A_0, %dma_wait3A_13] : memref<10240x128xf32, #tpu.memory_space<vmem_shared>> -> memref<640x128xf32, #tpu.memory_space<vmem_shared>>
      tpu.wait_dma2 semaphore(%run_scoped3A : memref<!tpu.dma_semaphore, #tpu.memory_space<semaphore_mem>>) src(%dma_wait3A_14 : memref<640x128xf32, #tpu.memory_space<vmem_shared>>) dst(%dma_wait3A_12 : memref<640x128xf32, #tpu.memory_space<hbm>>)
      tpu.yield
    }) : () -> ()
    return
  }
}

module attributes {stable_mosaic.version = 14 : i64} {
  func.func @body(%arg0: i32, %arg1: memref<256x128xf32, #tpu.memory_space<vmem>>, %arg2: memref<128x64xf32, #tpu.memory_space<vmem>>, %arg3: memref<1x64xf32, #tpu.memory_space<vmem>>, %arg4: memref<2x2x256x128xf32, #tpu.memory_space<vmem>>, %arg5: memref<256x128xf32, #tpu.memory_space<vmem>>) attributes {dimension_semantics = [#tpu.dimension_semantics<arbitrary>], iteration_bounds = array<i64: 40>, scalar_prefetch = 0 : i64, scratch_operands = 0 : i64, tpu.core_type = #tpu.core_type<tc>, window_params = [{transform_indices = @transform_0, window_bounds = array<i64: 256, 128>}, {pipeline_mode = #tpu.pipeline_mode<synchronous>, transform_indices = @transform_1, window_bounds = array<i64: 128, 64>}, {pipeline_mode = #tpu.pipeline_mode<synchronous>, transform_indices = @transform_2, window_bounds = array<i64: 1, 64>}, {transform_indices = @transform_3, window_bounds = array<i64: 2, 2, 256, 128>}, {transform_indices = @transform_4, window_bounds = array<i64: 256, 128>}]} {
    %get3A = arith.constant 0 : index
    %get3A_0 = arith.constant 0 : index
    %get3A_1 = arith.constant 0 : index
    %get3A_2 = arith.constant 0 : index
    %get3A_3 = vector.load %arg4[%get3A, %get3A_0, %get3A_1, %get3A_2] : memref<2x2x256x128xf32, #tpu.memory_space<vmem>>, vector<2x2x256x128xf32>
    %slice3A = vector.extract_strided_slice %get3A_3 {offsets = [0, 0, 0, 0], sizes = [1, 1, 256, 1], strides = [1, 1, 1, 1]} : vector<2x2x256x128xf32> to vector<1x1x256x1xf32>
    %squeeze3A = vector.shape_cast %slice3A : vector<1x1x256x1xf32> to vector<256x1xf32>
    %max3A = arith.constant 1.000000e+00 : f32
    %max3A_4 = vector.broadcast %max3A : f32 to vector<256x1xf32>
    %max3A_5 = arith.maximumf %squeeze3A, %max3A_4 : vector<256x1xf32>
    %rsqrt3A = math.rsqrt %max3A_5 : vector<256x1xf32>
    %slice3A_6 = vector.extract_strided_slice %get3A_3 {offsets = [1, 0, 0, 0], sizes = [1, 1, 256, 1], strides = [1, 1, 1, 1]} : vector<2x2x256x128xf32> to vector<1x1x256x1xf32>
    %squeeze3A_7 = vector.shape_cast %slice3A_6 : vector<1x1x256x1xf32> to vector<256x1xf32>
    %max3A_8 = arith.constant 1.000000e+00 : f32
    %max3A_9 = vector.broadcast %max3A_8 : f32 to vector<256x1xf32>
    %max3A_10 = arith.maximumf %squeeze3A_7, %max3A_9 : vector<256x1xf32>
    %rsqrt3A_11 = math.rsqrt %max3A_10 : vector<256x1xf32>
    %get3A_12 = arith.constant 0 : index
    %get3A_13 = arith.constant 0 : index
    %get3A_14 = vector.load %arg1[%get3A_12, %get3A_13] : memref<256x128xf32, #tpu.memory_space<vmem>>, vector<256x128xf32>
    %get3A_15 = arith.constant 0 : index
    %get3A_16 = arith.constant 0 : index
    %get3A_17 = vector.load %arg2[%get3A_15, %get3A_16] : memref<128x64xf32, #tpu.memory_space<vmem>>, vector<128x64xf32>
    %dot_general3A = arith.constant dense<0.000000e+00> : vector<256x64xf32>
    %dot_general3A_18 = tpu.matmul %get3A_14, %get3A_17, %dot_general3A {dimension_numbers = #tpu.dot_dimension_numbers<[1], [0], [0], [1], [0, 0, 1, 1], [], []>, transpose_lhs_hint = false} : vector<256x128xf32>, vector<128x64xf32>, vector<256x64xf32> -> vector<256x64xf32>
    %get3A_19 = arith.constant 0 : index
    %get3A_20 = arith.constant 0 : index
    %get3A_21 = vector.load %arg3[%get3A_19, %get3A_20] : memref<1x64xf32, #tpu.memory_space<vmem>>, vector<1x64xf32>
    %add3A = vector.broadcast %get3A_21 : vector<1x64xf32> to vector<256x64xf32>
    %add3A_22 = arith.addf %dot_general3A_18, %add3A : vector<256x64xf32>
    %mul3A = vector.broadcast %rsqrt3A : vector<256x1xf32> to vector<256x64xf32>
    %mul3A_23 = arith.mulf %add3A_22, %mul3A : vector<256x64xf32>
    %mul3A_24 = vector.broadcast %rsqrt3A_11 : vector<256x1xf32> to vector<256x64xf32>
    %mul3A_25 = arith.mulf %add3A_22, %mul3A_24 : vector<256x64xf32>
    %concatenate3A = tpu.concatenate %mul3A_23, %mul3A_25 in 1 : vector<256x64xf32>, vector<256x64xf32> -> vector<256x128xf32>
    %swap3A = arith.constant 0 : index
    %swap3A_26 = arith.constant 0 : index
    %swap3A_27 = vector.load %arg5[%swap3A, %swap3A_26] : memref<256x128xf32, #tpu.memory_space<vmem>>, vector<256x128xf32>
    tpu.vector_store %arg5[%swap3A, %swap3A_26], %concatenate3A {strides = array<i32>} : memref<256x128xf32, #tpu.memory_space<vmem>>, vector<256x128xf32>,
    return
  }
  func.func @transform_0(%arg0: i32) -> (i32, i32) {
    %c0_i32 = arith.constant 0 : i32
    %c0_i32_0 = arith.constant 0 : i32
    return %arg0, %c0_i32 : i32, i32
  }
  func.func @transform_1(%arg0: i32) -> (i32, i32) {
    %c0_i32 = arith.constant 0 : i32
    %c0_i32_0 = arith.constant 0 : i32
    %c0_i32_1 = arith.constant 0 : i32
    return %c0_i32, %c0_i32_0 : i32, i32
  }
  func.func @transform_2(%arg0: i32) -> (i32, i32) {
    %c0_i32 = arith.constant 0 : i32
    %c0_i32_0 = arith.constant 0 : i32
    %c0_i32_1 = arith.constant 0 : i32
    return %c0_i32, %c0_i32_0 : i32, i32
  }
  func.func @transform_3(%arg0: i32) -> (i32, i32, i32, i32) {
    %c0_i32 = arith.constant 0 : i32
    %c0_i32_0 = arith.constant 0 : i32
    %c0_i32_1 = arith.constant 0 : i32
    %c0_i32_2 = arith.constant 0 : i32
    return %c0_i32, %c0_i32_0, %arg0, %c0_i32_1 : i32, i32, i32, i32
  }
  func.func @transform_4(%arg0: i32) -> (i32, i32) {
    %c0_i32 = arith.constant 0 : i32
    %c0_i32_0 = arith.constant 0 : i32
    return %arg0, %c0_i32 : i32, i32
  }
}

module attributes {stable_mosaic.version = 14 : i64} {
  func.func @body(%arg0: i32, %arg1: memref<2x256x128xf32, #tpu.memory_space<vmem>>, %arg2: memref<64x128xf32, #tpu.memory_space<vmem>>, %arg3: memref<64x128xf32, #tpu.memory_space<vmem>>, %arg4: memref<1x128xf32, #tpu.memory_space<vmem>>, %arg5: memref<1x128xf32, #tpu.memory_space<vmem>>, %arg6: memref<2x2x256x128xf32, #tpu.memory_space<vmem>>, %arg7: memref<2x256x128xf32, #tpu.memory_space<vmem>>) attributes {dimension_semantics = [#tpu.dimension_semantics<arbitrary>], iteration_bounds = array<i64: 40>, scalar_prefetch = 0 : i64, scratch_operands = 0 : i64, tpu.core_type = #tpu.core_type<tc>, window_params = [{transform_indices = @transform_0, window_bounds = array<i64: 2, 256, 128>}, {pipeline_mode = #tpu.pipeline_mode<synchronous>, transform_indices = @transform_1, window_bounds = array<i64: 64, 128>}, {pipeline_mode = #tpu.pipeline_mode<synchronous>, transform_indices = @transform_2, window_bounds = array<i64: 64, 128>}, {pipeline_mode = #tpu.pipeline_mode<synchronous>, transform_indices = @transform_3, window_bounds = array<i64: 1, 128>}, {pipeline_mode = #tpu.pipeline_mode<synchronous>, transform_indices = @transform_4, window_bounds = array<i64: 1, 128>}, {transform_indices = @transform_5, window_bounds = array<i64: 2, 2, 256, 128>}, {transform_indices = @transform_6, window_bounds = array<i64: 2, 256, 128>}]} {
    %get3A = arith.constant 0 : index
    %get3A_0 = arith.constant 0 : index
    %get3A_1 = arith.constant 0 : index
    %get3A_2 = arith.constant 0 : index
    %get3A_3 = vector.load %arg6[%get3A, %get3A_0, %get3A_1, %get3A_2] : memref<2x2x256x128xf32, #tpu.memory_space<vmem>>, vector<2x2x256x128xf32>
    %slice3A = vector.extract_strided_slice %get3A_3 {offsets = [0, 0, 0, 0], sizes = [1, 1, 256, 1], strides = [1, 1, 1, 1]} : vector<2x2x256x128xf32> to vector<1x1x256x1xf32>
    %squeeze3A = vector.shape_cast %slice3A : vector<1x1x256x1xf32> to vector<256x1xf32>
    %max3A = arith.constant 1.000000e+00 : f32
    %max3A_4 = vector.broadcast %max3A : f32 to vector<256x1xf32>
    %max3A_5 = arith.maximumf %squeeze3A, %max3A_4 : vector<256x1xf32>
    %rsqrt3A = math.rsqrt %max3A_5 : vector<256x1xf32>
    %slice3A_6 = vector.extract_strided_slice %get3A_3 {offsets = [0, 1, 0, 0], sizes = [1, 1, 256, 1], strides = [1, 1, 1, 1]} : vector<2x2x256x128xf32> to vector<1x1x256x1xf32>
    %squeeze3A_7 = vector.shape_cast %slice3A_6 : vector<1x1x256x1xf32> to vector<256x1xf32>
    %max3A_8 = arith.constant 1.000000e+00 : f32
    %max3A_9 = vector.broadcast %max3A_8 : f32 to vector<256x1xf32>
    %max3A_10 = arith.maximumf %squeeze3A_7, %max3A_9 : vector<256x1xf32>
    %rsqrt3A_11 = math.rsqrt %max3A_10 : vector<256x1xf32>
    %slice3A_12 = vector.extract_strided_slice %get3A_3 {offsets = [1, 0, 0, 0], sizes = [1, 1, 256, 1], strides = [1, 1, 1, 1]} : vector<2x2x256x128xf32> to vector<1x1x256x1xf32>
    %squeeze3A_13 = vector.shape_cast %slice3A_12 : vector<1x1x256x1xf32> to vector<256x1xf32>
    %max3A_14 = arith.constant 1.000000e+00 : f32
    %max3A_15 = vector.broadcast %max3A_14 : f32 to vector<256x1xf32>
    %max3A_16 = arith.maximumf %squeeze3A_13, %max3A_15 : vector<256x1xf32>
    %rsqrt3A_17 = math.rsqrt %max3A_16 : vector<256x1xf32>
    %slice3A_18 = vector.extract_strided_slice %get3A_3 {offsets = [1, 1, 0, 0], sizes = [1, 1, 256, 1], strides = [1, 1, 1, 1]} : vector<2x2x256x128xf32> to vector<1x1x256x1xf32>
    %squeeze3A_19 = vector.shape_cast %slice3A_18 : vector<1x1x256x1xf32> to vector<256x1xf32>
    %max3A_20 = arith.constant 1.000000e+00 : f32
    %max3A_21 = vector.broadcast %max3A_20 : f32 to vector<256x1xf32>
    %max3A_22 = arith.maximumf %squeeze3A_19, %max3A_21 : vector<256x1xf32>
    %rsqrt3A_23 = math.rsqrt %max3A_22 : vector<256x1xf32>
    %get3A_24 = arith.constant 0 : index
    %get3A_25 = arith.constant 0 : index
    %get3A_26 = arith.constant 0 : index
    %get3A_27 = vector.load %arg1[%get3A_24, %get3A_25, %get3A_26] : memref<2x256x128xf32, #tpu.memory_space<vmem>>, vector<2x256x128xf32>
    %slice3A_28 = vector.extract_strided_slice %get3A_27 {offsets = [0, 0, 0], sizes = [1, 256, 128], strides = [1, 1, 1]} : vector<2x256x128xf32> to vector<1x256x128xf32>
    %squeeze3A_29 = vector.shape_cast %slice3A_28 : vector<1x256x128xf32> to vector<256x128xf32>
    %slice3A_30 = vector.extract_strided_slice %squeeze3A_29 {offsets = [0, 0], sizes = [256, 64], strides = [1, 1]} : vector<256x128xf32> to vector<256x64xf32>
    %mul3A = vector.broadcast %rsqrt3A_11 : vector<256x1xf32> to vector<256x64xf32>
    %mul3A_31 = arith.mulf %slice3A_30, %mul3A : vector<256x64xf32>
    %get3A_32 = arith.constant 0 : index
    %get3A_33 = arith.constant 0 : index
    %get3A_34 = vector.load %arg2[%get3A_32, %get3A_33] : memref<64x128xf32, #tpu.memory_space<vmem>>, vector<64x128xf32>
    %dot_general3A = arith.constant dense<0.000000e+00> : vector<256x128xf32>
    %dot_general3A_35 = tpu.matmul %mul3A_31, %get3A_34, %dot_general3A {dimension_numbers = #tpu.dot_dimension_numbers<[1], [0], [0], [1], [0, 0, 1, 1], [], []>, transpose_lhs_hint = false} : vector<256x64xf32>, vector<64x128xf32>, vector<256x128xf32> -> vector<256x128xf32>
    %slice3A_36 = vector.extract_strided_slice %get3A_27 {offsets = [1, 0, 0], sizes = [1, 256, 128], strides = [1, 1, 1]} : vector<2x256x128xf32> to vector<1x256x128xf32>
    %squeeze3A_37 = vector.shape_cast %slice3A_36 : vector<1x256x128xf32> to vector<256x128xf32>
    %slice3A_38 = vector.extract_strided_slice %squeeze3A_37 {offsets = [0, 64], sizes = [256, 64], strides = [1, 1]} : vector<256x128xf32> to vector<256x64xf32>
    %mul3A_39 = vector.broadcast %rsqrt3A_23 : vector<256x1xf32> to vector<256x64xf32>
    %mul3A_40 = arith.mulf %slice3A_38, %mul3A_39 : vector<256x64xf32>
    %get3A_41 = arith.constant 0 : index
    %get3A_42 = arith.constant 0 : index
    %get3A_43 = vector.load %arg3[%get3A_41, %get3A_42] : memref<64x128xf32, #tpu.memory_space<vmem>>, vector<64x128xf32>
    %dot_general3A_44 = arith.constant dense<0.000000e+00> : vector<256x128xf32>
    %dot_general3A_45 = tpu.matmul %mul3A_40, %get3A_43, %dot_general3A_44 {dimension_numbers = #tpu.dot_dimension_numbers<[1], [0], [0], [1], [0, 0, 1, 1], [], []>, transpose_lhs_hint = false} : vector<256x64xf32>, vector<64x128xf32>, vector<256x128xf32> -> vector<256x128xf32>
    %add3A = arith.addf %dot_general3A_35, %dot_general3A_45 : vector<256x128xf32>
    %get3A_46 = arith.constant 0 : index
    %get3A_47 = arith.constant 0 : index
    %get3A_48 = vector.load %arg4[%get3A_46, %get3A_47] : memref<1x128xf32, #tpu.memory_space<vmem>>, vector<1x128xf32>
    %add3A_49 = vector.broadcast %get3A_48 : vector<1x128xf32> to vector<256x128xf32>
    %add3A_50 = arith.addf %add3A, %add3A_49 : vector<256x128xf32>
    %get3A_51 = arith.constant 0 : index
    %get3A_52 = arith.constant 0 : index
    %get3A_53 = vector.load %arg5[%get3A_51, %get3A_52] : memref<1x128xf32, #tpu.memory_space<vmem>>, vector<1x128xf32>
    %add3A_54 = vector.broadcast %get3A_53 : vector<1x128xf32> to vector<256x128xf32>
    %add3A_55 = arith.addf %add3A_50, %add3A_54 : vector<256x128xf32>
    %mul3A_56 = vector.broadcast %rsqrt3A : vector<256x1xf32> to vector<256x128xf32>
    %mul3A_57 = arith.mulf %add3A_55, %mul3A_56 : vector<256x128xf32>
    %swap3A = arith.constant 0 : index
    %swap3A_58 = arith.constant 0 : index
    %swap3A_59 = arith.constant 0 : index
    %swap3A_60 = vector.load %arg7[%swap3A, %swap3A_58, %swap3A_59] : memref<2x256x128xf32, #tpu.memory_space<vmem>>, vector<1x256x128xf32>
    %swap3A_61 = vector.shape_cast %swap3A_60 : vector<1x256x128xf32> to vector<256x128xf32>
    %swap3A_62 = vector.shape_cast %mul3A_57 : vector<256x128xf32> to vector<1x256x128xf32>
    tpu.vector_store %arg7[%swap3A, %swap3A_58, %swap3A_59], %swap3A_62 {strides = array<i32>} : memref<2x256x128xf32, #tpu.memory_space<vmem>>, vector<1x256x128xf32>,
    %mul3A_63 = vector.broadcast %rsqrt3A_17 : vector<256x1xf32> to vector<256x128xf32>
    %mul3A_64 = arith.mulf %add3A_55, %mul3A_63 : vector<256x128xf32>
    %swap3A_65 = arith.constant 1 : index
    %swap3A_66 = arith.constant 0 : index
    %swap3A_67 = arith.constant 0 : index
    %swap3A_68 = vector.load %arg7[%swap3A_65, %swap3A_66, %swap3A_67] : memref<2x256x128xf32, #tpu.memory_space<vmem>>, vector<1x256x128xf32>
    %swap3A_69 = vector.shape_cast %swap3A_68 : vector<1x256x128xf32> to vector<256x128xf32>
    %swap3A_70 = vector.shape_cast %mul3A_64 : vector<256x128xf32> to vector<1x256x128xf32>
    tpu.vector_store %arg7[%swap3A_65, %swap3A_66, %swap3A_67], %swap3A_70 {strides = array<i32>} : memref<2x256x128xf32, #tpu.memory_space<vmem>>, vector<1x256x128xf32>,
    return
  }
  func.func @transform_0(%arg0: i32) -> (i32, i32, i32) {
    %c0_i32 = arith.constant 0 : i32
    %c0_i32_0 = arith.constant 0 : i32
    %c0_i32_1 = arith.constant 0 : i32
    return %c0_i32, %arg0, %c0_i32_0 : i32, i32, i32
  }
  func.func @transform_1(%arg0: i32) -> (i32, i32) {
    %c0_i32 = arith.constant 0 : i32
    %c0_i32_0 = arith.constant 0 : i32
    %c0_i32_1 = arith.constant 0 : i32
    return %c0_i32, %c0_i32_0 : i32, i32
  }
  func.func @transform_2(%arg0: i32) -> (i32, i32) {
    %c0_i32 = arith.constant 0 : i32
    %c0_i32_0 = arith.constant 0 : i32
    %c0_i32_1 = arith.constant 0 : i32
    return %c0_i32, %c0_i32_0 : i32, i32
  }
  func.func @transform_3(%arg0: i32) -> (i32, i32) {
    %c0_i32 = arith.constant 0 : i32
    %c0_i32_0 = arith.constant 0 : i32
    %c0_i32_1 = arith.constant 0 : i32
    return %c0_i32, %c0_i32_0 : i32, i32
  }
  func.func @transform_4(%arg0: i32) -> (i32, i32) {
    %c0_i32 = arith.constant 0 : i32
    %c0_i32_0 = arith.constant 0 : i32
    %c0_i32_1 = arith.constant 0 : i32
    return %c0_i32, %c0_i32_0 : i32, i32
  }
  func.func @transform_5(%arg0: i32) -> (i32, i32, i32, i32) {
    %c0_i32 = arith.constant 0 : i32
    %c0_i32_0 = arith.constant 0 : i32
    %c0_i32_1 = arith.constant 0 : i32
    %c0_i32_2 = arith.constant 0 : i32
    return %c0_i32, %c0_i32_0, %arg0, %c0_i32_1 : i32, i32, i32, i32
  }
  func.func @transform_6(%arg0: i32) -> (i32, i32, i32) {
    %c0_i32 = arith.constant 0 : i32
    %c0_i32_0 = arith.constant 0 : i32
    %c0_i32_1 = arith.constant 0 : i32
    return %c0_i32, %arg0, %c0_i32_0 : i32, i32, i32
  }
}

module attributes {stable_mosaic.version = 14 : i64} {
  func.func @body(%arg0: i32, %arg1: memref<2x256x128xf32, #tpu.memory_space<vmem>>, %arg2: memref<128x256xf32, #tpu.memory_space<vmem>>, %arg3: memref<128x256xf32, #tpu.memory_space<vmem>>, %arg4: memref<1x256xf32, #tpu.memory_space<vmem>>, %arg5: memref<1x256xf32, #tpu.memory_space<vmem>>, %arg6: memref<256x64xf32, #tpu.memory_space<vmem>>, %arg7: memref<256x64xf32, #tpu.memory_space<vmem>>, %arg8: memref<2x2x256x128xf32, #tpu.memory_space<vmem>>, %arg9: memref<256x128xf32, #tpu.memory_space<vmem>>) attributes {dimension_semantics = [#tpu.dimension_semantics<arbitrary>], iteration_bounds = array<i64: 40>, scalar_prefetch = 0 : i64, scratch_operands = 0 : i64, tpu.core_type = #tpu.core_type<tc>, window_params = [{transform_indices = @transform_0, window_bounds = array<i64: 2, 256, 128>}, {pipeline_mode = #tpu.pipeline_mode<synchronous>, transform_indices = @transform_1, window_bounds = array<i64: 128, 256>}, {pipeline_mode = #tpu.pipeline_mode<synchronous>, transform_indices = @transform_2, window_bounds = array<i64: 128, 256>}, {pipeline_mode = #tpu.pipeline_mode<synchronous>, transform_indices = @transform_3, window_bounds = array<i64: 1, 256>}, {pipeline_mode = #tpu.pipeline_mode<synchronous>, transform_indices = @transform_4, window_bounds = array<i64: 1, 256>}, {pipeline_mode = #tpu.pipeline_mode<synchronous>, transform_indices = @transform_5, window_bounds = array<i64: 256, 64>}, {pipeline_mode = #tpu.pipeline_mode<synchronous>, transform_indices = @transform_6, window_bounds = array<i64: 256, 64>}, {transform_indices = @transform_7, window_bounds = array<i64: 2, 2, 256, 128>}, {transform_indices = @transform_8, window_bounds = array<i64: 256, 128>}]} {
    %get3A = arith.constant 0 : index
    %get3A_0 = arith.constant 0 : index
    %get3A_1 = arith.constant 0 : index
    %get3A_2 = arith.constant 0 : index
    %get3A_3 = vector.load %arg8[%get3A, %get3A_0, %get3A_1, %get3A_2] : memref<2x2x256x128xf32, #tpu.memory_space<vmem>>, vector<2x2x256x128xf32>
    %slice3A = vector.extract_strided_slice %get3A_3 {offsets = [0, 0, 0, 0], sizes = [1, 1, 256, 1], strides = [1, 1, 1, 1]} : vector<2x2x256x128xf32> to vector<1x1x256x1xf32>
    %squeeze3A = vector.shape_cast %slice3A : vector<1x1x256x1xf32> to vector<256x1xf32>
    %max3A = arith.constant 1.000000e+00 : f32
    %max3A_4 = vector.broadcast %max3A : f32 to vector<256x1xf32>
    %max3A_5 = arith.maximumf %squeeze3A, %max3A_4 : vector<256x1xf32>
    %rsqrt3A = math.rsqrt %max3A_5 : vector<256x1xf32>
    %slice3A_6 = vector.extract_strided_slice %get3A_3 {offsets = [0, 1, 0, 0], sizes = [1, 1, 256, 1], strides = [1, 1, 1, 1]} : vector<2x2x256x128xf32> to vector<1x1x256x1xf32>
    %squeeze3A_7 = vector.shape_cast %slice3A_6 : vector<1x1x256x1xf32> to vector<256x1xf32>
    %max3A_8 = arith.constant 1.000000e+00 : f32
    %max3A_9 = vector.broadcast %max3A_8 : f32 to vector<256x1xf32>
    %max3A_10 = arith.maximumf %squeeze3A_7, %max3A_9 : vector<256x1xf32>
    %rsqrt3A_11 = math.rsqrt %max3A_10 : vector<256x1xf32>
    %slice3A_12 = vector.extract_strided_slice %get3A_3 {offsets = [1, 0, 0, 0], sizes = [1, 1, 256, 1], strides = [1, 1, 1, 1]} : vector<2x2x256x128xf32> to vector<1x1x256x1xf32>
    %squeeze3A_13 = vector.shape_cast %slice3A_12 : vector<1x1x256x1xf32> to vector<256x1xf32>
    %max3A_14 = arith.constant 1.000000e+00 : f32
    %max3A_15 = vector.broadcast %max3A_14 : f32 to vector<256x1xf32>
    %max3A_16 = arith.maximumf %squeeze3A_13, %max3A_15 : vector<256x1xf32>
    %rsqrt3A_17 = math.rsqrt %max3A_16 : vector<256x1xf32>
    %slice3A_18 = vector.extract_strided_slice %get3A_3 {offsets = [1, 1, 0, 0], sizes = [1, 1, 256, 1], strides = [1, 1, 1, 1]} : vector<2x2x256x128xf32> to vector<1x1x256x1xf32>
    %squeeze3A_19 = vector.shape_cast %slice3A_18 : vector<1x1x256x1xf32> to vector<256x1xf32>
    %max3A_20 = arith.constant 1.000000e+00 : f32
    %max3A_21 = vector.broadcast %max3A_20 : f32 to vector<256x1xf32>
    %max3A_22 = arith.maximumf %squeeze3A_19, %max3A_21 : vector<256x1xf32>
    %rsqrt3A_23 = math.rsqrt %max3A_22 : vector<256x1xf32>
    %get3A_24 = arith.constant 0 : index
    %get3A_25 = arith.constant 0 : index
    %get3A_26 = arith.constant 0 : index
    %get3A_27 = vector.load %arg1[%get3A_24, %get3A_25, %get3A_26] : memref<2x256x128xf32, #tpu.memory_space<vmem>>, vector<2x256x128xf32>
    %slice3A_28 = vector.extract_strided_slice %get3A_27 {offsets = [0, 0, 0], sizes = [1, 256, 128], strides = [1, 1, 1]} : vector<2x256x128xf32> to vector<1x256x128xf32>
    %squeeze3A_29 = vector.shape_cast %slice3A_28 : vector<1x256x128xf32> to vector<256x128xf32>
    %mul3A = vector.broadcast %rsqrt3A_11 : vector<256x1xf32> to vector<256x128xf32>
    %mul3A_30 = arith.mulf %squeeze3A_29, %mul3A : vector<256x128xf32>
    %get3A_31 = arith.constant 0 : index
    %get3A_32 = arith.constant 0 : index
    %get3A_33 = vector.load %arg2[%get3A_31, %get3A_32] : memref<128x256xf32, #tpu.memory_space<vmem>>, vector<128x256xf32>
    %dot_general3A = arith.constant dense<0.000000e+00> : vector<256x256xf32>
    %dot_general3A_34 = tpu.matmul %mul3A_30, %get3A_33, %dot_general3A {dimension_numbers = #tpu.dot_dimension_numbers<[1], [0], [0], [1], [0, 0, 1, 1], [], []>, transpose_lhs_hint = false} : vector<256x128xf32>, vector<128x256xf32>, vector<256x256xf32> -> vector<256x256xf32>
    %slice3A_35 = vector.extract_strided_slice %get3A_27 {offsets = [1, 0, 0], sizes = [1, 256, 128], strides = [1, 1, 1]} : vector<2x256x128xf32> to vector<1x256x128xf32>
    %squeeze3A_36 = vector.shape_cast %slice3A_35 : vector<1x256x128xf32> to vector<256x128xf32>
    %mul3A_37 = vector.broadcast %rsqrt3A_23 : vector<256x1xf32> to vector<256x128xf32>
    %mul3A_38 = arith.mulf %squeeze3A_36, %mul3A_37 : vector<256x128xf32>
    %get3A_39 = arith.constant 0 : index
    %get3A_40 = arith.constant 0 : index
    %get3A_41 = vector.load %arg3[%get3A_39, %get3A_40] : memref<128x256xf32, #tpu.memory_space<vmem>>, vector<128x256xf32>
    %dot_general3A_42 = arith.constant dense<0.000000e+00> : vector<256x256xf32>
    %dot_general3A_43 = tpu.matmul %mul3A_38, %get3A_41, %dot_general3A_42 {dimension_numbers = #tpu.dot_dimension_numbers<[1], [0], [0], [1], [0, 0, 1, 1], [], []>, transpose_lhs_hint = false} : vector<256x128xf32>, vector<128x256xf32>, vector<256x256xf32> -> vector<256x256xf32>
    %add3A = arith.addf %dot_general3A_34, %dot_general3A_43 : vector<256x256xf32>
    %get3A_44 = arith.constant 0 : index
    %get3A_45 = arith.constant 0 : index
    %get3A_46 = vector.load %arg4[%get3A_44, %get3A_45] : memref<1x256xf32, #tpu.memory_space<vmem>>, vector<1x256xf32>
    %add3A_47 = vector.broadcast %get3A_46 : vector<1x256xf32> to vector<256x256xf32>
    %add3A_48 = arith.addf %add3A, %add3A_47 : vector<256x256xf32>
    %get3A_49 = arith.constant 0 : index
    %get3A_50 = arith.constant 0 : index
    %get3A_51 = vector.load %arg5[%get3A_49, %get3A_50] : memref<1x256xf32, #tpu.memory_space<vmem>>, vector<1x256xf32>
    %add3A_52 = vector.broadcast %get3A_51 : vector<1x256xf32> to vector<256x256xf32>
    %add3A_53 = arith.addf %add3A_48, %add3A_52 : vector<256x256xf32>
    %mul3A_54 = vector.broadcast %rsqrt3A : vector<256x1xf32> to vector<256x256xf32>
    %mul3A_55 = arith.mulf %add3A_53, %mul3A_54 : vector<256x256xf32>
    %get3A_56 = arith.constant 0 : index
    %get3A_57 = arith.constant 0 : index
    %get3A_58 = vector.load %arg6[%get3A_56, %get3A_57] : memref<256x64xf32, #tpu.memory_space<vmem>>, vector<256x64xf32>
    %dot_general3A_59 = arith.constant dense<0.000000e+00> : vector<256x64xf32>
    %dot_general3A_60 = tpu.matmul %mul3A_55, %get3A_58, %dot_general3A_59 {dimension_numbers = #tpu.dot_dimension_numbers<[1], [0], [0], [1], [0, 0, 1, 1], [], []>, transpose_lhs_hint = false} : vector<256x256xf32>, vector<256x64xf32>, vector<256x64xf32> -> vector<256x64xf32>
    %mul3A_61 = vector.broadcast %rsqrt3A_17 : vector<256x1xf32> to vector<256x256xf32>
    %mul3A_62 = arith.mulf %add3A_53, %mul3A_61 : vector<256x256xf32>
    %get3A_63 = arith.constant 0 : index
    %get3A_64 = arith.constant 0 : index
    %get3A_65 = vector.load %arg7[%get3A_63, %get3A_64] : memref<256x64xf32, #tpu.memory_space<vmem>>, vector<256x64xf32>
    %dot_general3A_66 = arith.constant dense<0.000000e+00> : vector<256x64xf32>
    %dot_general3A_67 = tpu.matmul %mul3A_62, %get3A_65, %dot_general3A_66 {dimension_numbers = #tpu.dot_dimension_numbers<[1], [0], [0], [1], [0, 0, 1, 1], [], []>, transpose_lhs_hint = false} : vector<256x256xf32>, vector<256x64xf32>, vector<256x64xf32> -> vector<256x64xf32>
    %concatenate3A = tpu.concatenate %dot_general3A_60, %dot_general3A_67 in 1 : vector<256x64xf32>, vector<256x64xf32> -> vector<256x128xf32>
    %swap3A = arith.constant 0 : index
    %swap3A_68 = arith.constant 0 : index
    %swap3A_69 = vector.load %arg9[%swap3A, %swap3A_68] : memref<256x128xf32, #tpu.memory_space<vmem>>, vector<256x128xf32>
    tpu.vector_store %arg9[%swap3A, %swap3A_68], %concatenate3A {strides = array<i32>} : memref<256x128xf32, #tpu.memory_space<vmem>>, vector<256x128xf32>,
    return
  }
  func.func @transform_0(%arg0: i32) -> (i32, i32, i32) {
    %c0_i32 = arith.constant 0 : i32
    %c0_i32_0 = arith.constant 0 : i32
    %c0_i32_1 = arith.constant 0 : i32
    return %c0_i32, %arg0, %c0_i32_0 : i32, i32, i32
  }
  func.func @transform_1(%arg0: i32) -> (i32, i32) {
    %c0_i32 = arith.constant 0 : i32
    %c0_i32_0 = arith.constant 0 : i32
    %c0_i32_1 = arith.constant 0 : i32
    return %c0_i32, %c0_i32_0 : i32, i32
  }
  func.func @transform_2(%arg0: i32) -> (i32, i32) {
    %c0_i32 = arith.constant 0 : i32
    %c0_i32_0 = arith.constant 0 : i32
    %c0_i32_1 = arith.constant 0 : i32
    return %c0_i32, %c0_i32_0 : i32, i32
  }
  func.func @transform_3(%arg0: i32) -> (i32, i32) {
    %c0_i32 = arith.constant 0 : i32
    %c0_i32_0 = arith.constant 0 : i32
    %c0_i32_1 = arith.constant 0 : i32
    return %c0_i32, %c0_i32_0 : i32, i32
  }
  func.func @transform_4(%arg0: i32) -> (i32, i32) {
    %c0_i32 = arith.constant 0 : i32
    %c0_i32_0 = arith.constant 0 : i32
    %c0_i32_1 = arith.constant 0 : i32
    return %c0_i32, %c0_i32_0 : i32, i32
  }
  func.func @transform_5(%arg0: i32) -> (i32, i32) {
    %c0_i32 = arith.constant 0 : i32
    %c0_i32_0 = arith.constant 0 : i32
    %c0_i32_1 = arith.constant 0 : i32
    return %c0_i32, %c0_i32_0 : i32, i32
  }
  func.func @transform_6(%arg0: i32) -> (i32, i32) {
    %c0_i32 = arith.constant 0 : i32
    %c0_i32_0 = arith.constant 0 : i32
    %c0_i32_1 = arith.constant 0 : i32
    return %c0_i32, %c0_i32_0 : i32, i32
  }
  func.func @transform_7(%arg0: i32) -> (i32, i32, i32, i32) {
    %c0_i32 = arith.constant 0 : i32
    %c0_i32_0 = arith.constant 0 : i32
    %c0_i32_1 = arith.constant 0 : i32
    %c0_i32_2 = arith.constant 0 : i32
    return %c0_i32, %c0_i32_0, %arg0, %c0_i32_1 : i32, i32, i32, i32
  }
  func.func @transform_8(%arg0: i32) -> (i32, i32) {
    %c0_i32 = arith.constant 0 : i32
    %c0_i32_0 = arith.constant 0 : i32
    return %arg0, %c0_i32 : i32, i32
  }
}

module attributes {stable_mosaic.version = 14 : i64} {
  func.func @body(%arg0: i32, %arg1: memref<2x256x128xf32, #tpu.memory_space<vmem>>, %arg2: memref<1x64xf32, #tpu.memory_space<vmem>>, %arg3: memref<1x64xf32, #tpu.memory_space<vmem>>, %arg4: memref<2x2x256x128xf32, #tpu.memory_space<vmem>>, %arg5: memref<256x64xf32, #tpu.memory_space<vmem>>) attributes {dimension_semantics = [#tpu.dimension_semantics<arbitrary>], iteration_bounds = array<i64: 40>, scalar_prefetch = 0 : i64, scratch_operands = 0 : i64, tpu.core_type = #tpu.core_type<tc>, window_params = [{transform_indices = @transform_0, window_bounds = array<i64: 2, 256, 128>}, {pipeline_mode = #tpu.pipeline_mode<synchronous>, transform_indices = @transform_1, window_bounds = array<i64: 1, 64>}, {pipeline_mode = #tpu.pipeline_mode<synchronous>, transform_indices = @transform_2, window_bounds = array<i64: 1, 64>}, {transform_indices = @transform_3, window_bounds = array<i64: 2, 2, 256, 128>}, {transform_indices = @transform_4, window_bounds = array<i64: 256, 64>}]} {
    %get3A = arith.constant 0 : index
    %get3A_0 = arith.constant 0 : index
    %get3A_1 = arith.constant 0 : index
    %get3A_2 = arith.constant 0 : index
    %get3A_3 = vector.load %arg4[%get3A, %get3A_0, %get3A_1, %get3A_2] : memref<2x2x256x128xf32, #tpu.memory_space<vmem>>, vector<2x2x256x128xf32>
    %slice3A = vector.extract_strided_slice %get3A_3 {offsets = [0, 1, 0, 0], sizes = [1, 1, 256, 1], strides = [1, 1, 1, 1]} : vector<2x2x256x128xf32> to vector<1x1x256x1xf32>
    %squeeze3A = vector.shape_cast %slice3A : vector<1x1x256x1xf32> to vector<256x1xf32>
    %max3A = arith.constant 1.000000e+00 : f32
    %max3A_4 = vector.broadcast %max3A : f32 to vector<256x1xf32>
    %max3A_5 = arith.maximumf %squeeze3A, %max3A_4 : vector<256x1xf32>
    %rsqrt3A = math.rsqrt %max3A_5 : vector<256x1xf32>
    %slice3A_6 = vector.extract_strided_slice %get3A_3 {offsets = [1, 1, 0, 0], sizes = [1, 1, 256, 1], strides = [1, 1, 1, 1]} : vector<2x2x256x128xf32> to vector<1x1x256x1xf32>
    %squeeze3A_7 = vector.shape_cast %slice3A_6 : vector<1x1x256x1xf32> to vector<256x1xf32>
    %max3A_8 = arith.constant 1.000000e+00 : f32
    %max3A_9 = vector.broadcast %max3A_8 : f32 to vector<256x1xf32>
    %max3A_10 = arith.maximumf %squeeze3A_7, %max3A_9 : vector<256x1xf32>
    %rsqrt3A_11 = math.rsqrt %max3A_10 : vector<256x1xf32>
    %get3A_12 = arith.constant 0 : index
    %get3A_13 = arith.constant 0 : index
    %get3A_14 = arith.constant 0 : index
    %get3A_15 = vector.load %arg1[%get3A_12, %get3A_13, %get3A_14] : memref<2x256x128xf32, #tpu.memory_space<vmem>>, vector<2x256x128xf32>
    %slice3A_16 = vector.extract_strided_slice %get3A_15 {offsets = [0, 0, 0], sizes = [1, 256, 128], strides = [1, 1, 1]} : vector<2x256x128xf32> to vector<1x256x128xf32>
    %squeeze3A_17 = vector.shape_cast %slice3A_16 : vector<1x256x128xf32> to vector<256x128xf32>
    %slice3A_18 = vector.extract_strided_slice %squeeze3A_17 {offsets = [0, 0], sizes = [256, 64], strides = [1, 1]} : vector<256x128xf32> to vector<256x64xf32>
    %mul3A = vector.broadcast %rsqrt3A : vector<256x1xf32> to vector<256x64xf32>
    %mul3A_19 = arith.mulf %slice3A_18, %mul3A : vector<256x64xf32>
    %slice3A_20 = vector.extract_strided_slice %get3A_15 {offsets = [1, 0, 0], sizes = [1, 256, 128], strides = [1, 1, 1]} : vector<2x256x128xf32> to vector<1x256x128xf32>
    %squeeze3A_21 = vector.shape_cast %slice3A_20 : vector<1x256x128xf32> to vector<256x128xf32>
    %slice3A_22 = vector.extract_strided_slice %squeeze3A_21 {offsets = [0, 64], sizes = [256, 64], strides = [1, 1]} : vector<256x128xf32> to vector<256x64xf32>
    %mul3A_23 = vector.broadcast %rsqrt3A_11 : vector<256x1xf32> to vector<256x64xf32>
    %mul3A_24 = arith.mulf %slice3A_22, %mul3A_23 : vector<256x64xf32>
    %add3A = arith.addf %mul3A_19, %mul3A_24 : vector<256x64xf32>
    %get3A_25 = arith.constant 0 : index
    %get3A_26 = arith.constant 0 : index
    %get3A_27 = vector.load %arg2[%get3A_25, %get3A_26] : memref<1x64xf32, #tpu.memory_space<vmem>>, vector<1x64xf32>
    %add3A_28 = vector.broadcast %get3A_27 : vector<1x64xf32> to vector<256x64xf32>
    %add3A_29 = arith.addf %add3A, %add3A_28 : vector<256x64xf32>
    %get3A_30 = arith.constant 0 : index
    %get3A_31 = arith.constant 0 : index
    %get3A_32 = vector.load %arg3[%get3A_30, %get3A_31] : memref<1x64xf32, #tpu.memory_space<vmem>>, vector<1x64xf32>
    %add3A_33 = vector.broadcast %get3A_32 : vector<1x64xf32> to vector<256x64xf32>
    %add3A_34 = arith.addf %add3A_29, %add3A_33 : vector<256x64xf32>
    %swap3A = arith.constant 0 : index
    %swap3A_35 = arith.constant 0 : index
    %swap3A_36 = vector.load %arg5[%swap3A, %swap3A_35] : memref<256x64xf32, #tpu.memory_space<vmem>>, vector<256x64xf32>
    tpu.vector_store %arg5[%swap3A, %swap3A_35], %add3A_34 {strides = array<i32>} : memref<256x64xf32, #tpu.memory_space<vmem>>, vector<256x64xf32>,
    return
  }
  func.func @transform_0(%arg0: i32) -> (i32, i32, i32) {
    %c0_i32 = arith.constant 0 : i32
    %c0_i32_0 = arith.constant 0 : i32
    %c0_i32_1 = arith.constant 0 : i32
    return %c0_i32, %arg0, %c0_i32_0 : i32, i32, i32
  }
  func.func @transform_1(%arg0: i32) -> (i32, i32) {
    %c0_i32 = arith.constant 0 : i32
    %c0_i32_0 = arith.constant 0 : i32
    %c0_i32_1 = arith.constant 0 : i32
    return %c0_i32, %c0_i32_0 : i32, i32
  }
  func.func @transform_2(%arg0: i32) -> (i32, i32) {
    %c0_i32 = arith.constant 0 : i32
    %c0_i32_0 = arith.constant 0 : i32
    %c0_i32_1 = arith.constant 0 : i32
    return %c0_i32, %c0_i32_0 : i32, i32
  }
  func.func @transform_3(%arg0: i32) -> (i32, i32, i32, i32) {
    %c0_i32 = arith.constant 0 : i32
    %c0_i32_0 = arith.constant 0 : i32
    %c0_i32_1 = arith.constant 0 : i32
    %c0_i32_2 = arith.constant 0 : i32
    return %c0_i32, %c0_i32_0, %arg0, %c0_i32_1 : i32, i32, i32, i32
  }
  func.func @transform_4(%arg0: i32) -> (i32, i32) {
    %c0_i32 = arith.constant 0 : i32
    %c0_i32_0 = arith.constant 0 : i32
    return %arg0, %c0_i32 : i32, i32
  }
}

</mosaic_0001>

<sc_bundles>
// kernel: kernel.10.cloned.1.call-start
scs
__scs_entry_jumppad:
0x0: {  	(pc) =	sbr.rel $0x88, $3  }
0x1: {  	(tag) =	ssettag $0x0;
	lr =	simm.s32 $0x1  }
0x2: {  	[smem:$0x3F90] =	sst lr;
	_ =	strace $0xD0000000  }
0x3: {  	_ = 	snop  }
0x4: {  	_ = 	snop  }
0x5: {  	_ = 	snop  }
0x6: {  	_ = 	snop  }
0x7: {  	_ = 	snop  }
__scs_overlays_trampoline_lowered:
0x8: {  	[smem:$0x3F9F] =	sst s0  }
0x9: {  	[smem:$0x3FA0] =	sst s1  }
0xa: {  	[smem:$0x3FA1] =	sst s2  }
0xb: {  	[smem:$0x3FA2] =	sst s3  }
0xc: {  	[smem:$0x3FA3] =	sst s4  }
0xd: {  	[smem:$0x3FA4] =	sst s5  }
0xe: {  	[smem:$0x3FA5] =	sst s6  }
0xf: {  	[smem:$0x3FA6] =	sst s7  }
0x10: {  	[smem:$0x3FA7] =	sst s8  }
0x11: {  	[smem:$0x3FA8] =	sst s9;
	s0 =	simm.s32 @!p0 $0x0  }
0x12: {  	s1 =	sld [smem:$0x3F8E];
	s0 =	simm.s32 @p0 $0x1  }
0x13: {  	[smem:$0x3FA9] =	sst s0;
	s0 =	simm.s32 @!p1 $0x0  }
0x14: {  	s2 =	sld [smem:$0x3F8D];
	s0 =	simm.s32 @p1 $0x1  }
0x15: {  	[smem:$0x3FAA] =	sst s0;
	s0 =	simm.s32 @!p2 $0x0  }
0x16: {  	s3 =	sld [smem:$0x3FDB];
	s0 =	simm.s32 @p2 $0x1  }
0x17: {  	s4 =	simm.s32 $0x1BF5;
	[smem:$0x3FAC] =	sst s0  }
0x18: {  	s0 =	sld [smem:$0x3F8F];
	_ =	swait.ge [sflag:s4], $0x0  }
0x19: {  	s7 =	sld [smem:$0x3F90]  }
0x1a: {  	s8 =	sadd.s32 $0xFFFFE003, lr  }
0x1b: {  	s9 =	sadd.s32 $0xFFFFFEF7, lr;
	s5 =	simm.s32 $0xFFFFFFFF;
	p2 =	slt.u32 s8, $0xFFFFF086  }
0x1c: {  	p1 =	slt.u32 s9, $0xF7A;
	s5 =	simm.s32 @!p2 $0x0  }
0x1d: {  	s5 =	simm.s32 @p1 $0x1;
	p0 =	seq.s32 s7, s2  }
0x1e: {  	s7 =	smul.u32 @!p0 $0xF7A, s2;
	p2 =	seq.s32 @!p0 s5, $0x0  }
0x1f: {  	s9 =	smul.u32 $0xF7A, s1;
	s8 =	simm.s32 @!p0 $0x1BF5;
	p2 =	por !p2, p0  }
0x20: {  	[sflag:s8] =	ssyncset.s32 @!p0 $0xFFFFF086;
	s6 =	sadd.s32 @!p0 s3, s7;
	s7 =	simm.s32 @!p0 $0x108  }
0x21: {  	s3 =	sadd.s32 s3, s9;
	s6 =	sadd.s32 @!p0 $0x88, s6;
	s7 =	simm.s32 @p2 $0x1082  }
0x22: {  	[simem:s7], [sflag:s8] =	dma.local @!p0 [hbm:s6], $0xF7A  }
0x23: {  	s9 =	sor.u32 $0xD0000000, s2;
	s6 =	simm.s32 $0x108;
	_ =	swait.ge @!p0 [sflag:s8], $0x0  }
0x24: {  	s3 =	sadd.s32 $0x88, s3;
	s6 =	simm.s32 @!p1 $0x1082;
	[sflag:s4] =	ssyncset.s32 $0xFFFFF086  }
0x25: {  	[simem:s6], [sflag:s4] =	dma.local [hbm:s3], $0xF7A  }
0x26: {  	[smem:$0x3F90] =	sst s1;
	(tag) =	ssettag s2;
	_ =	strace s9  }
0x27: {  	s1 =	sld [smem:$0x3FA0]  }
0x28: {  	s2 =	sld [smem:$0x3FA1]  }
0x29: {  	s4 =	sld [smem:$0x3FA3]  }
0x2a: {  	p0 =	seq.s32 s5, $0x0;
	s5 =	sld [smem:$0x3FA4]  }
0x2b: {  	s6 =	sld [smem:$0x3FA5]  }
0x2c: {  	s7 =	sld [smem:$0x3FA6]  }
0x2d: {  	s3 =	simm.s32 $0x108;
	s8 =	sld [smem:$0x3FA7]  }
0x2e: {  	s3 =	simm.s32 @!p0 $0x1082;
	s9 =	sld [smem:$0x3FA8]  }
0x2f: {  	lr =	sadd.s32 s0, s3;
	s0 =	sld [smem:$0x3F9F]  }
0x30: {  	s3 =	sld [smem:$0x3FA2]  }
0x31: {  	[smem:$0x3FAB] =	sst s10  }
0x32: {  	s10 =	sld [smem:$0x3FA9];
	_ =	sdelay $0x3  }
0x33: {  	p0 =	seq.s32 s10, $0x1;
	s10 =	sld [smem:$0x3FAB];
	_ =	sdelay $0x3  }
0x34: {  	[smem:$0x3FAB] =	sst s10  }
0x35: {  	s10 =	sld [smem:$0x3FAA];
	_ =	sdelay $0x3  }
0x36: {  	p1 =	seq.s32 s10, $0x1;
	s10 =	sld [smem:$0x3FAB];
	_ =	sdelay $0x3  }
0x37: {  	[smem:$0x3FAB] =	sst s10  }
0x38: {  	s10 =	sld [smem:$0x3FAC]  }
0x39: {  	_ = 	snop;
	(pc) =	sbr.ind lr, $3  }
0x3a: {  	_ = 	snop  }
0x3b: {  	_ = 	snop  }
0x3c: {  	p2 =	seq.s32 s10, $0x1;
	s10 =	sld [smem:$0x3FAB]  }
0x3d: {  	_ =	shalt  }
0x3e: {  	_ =	shalt  }
0x3f: {  	_ =	shalt  }
0x40: {  	_ =	shalt  }
0x41: {  	_ =	shalt  }
0x42: {  	_ =	shalt  }
0x43: {  	_ =	shalt  }
0x44: {  	_ =	shalt  }
0x45: {  	_ =	shalt  }
0x46: {  	_ =	shalt  }
0x47: {  	_ =	shalt  }
0x48: {  	_ =	shalt  }
0x49: {  	_ =	shalt  }
0x4a: {  	_ =	shalt  }
0x4b: {  	_ =	shalt  }
0x4c: {  	_ =	shalt  }
0x4d: {  	_ =	shalt  }
0x4e: {  	_ =	shalt  }
0x4f: {  	_ =	shalt  }
0x50: {  	_ =	shalt  }
0x51: {  	_ =	shalt  }
0x52: {  	_ =	shalt  }
0x53: {  	_ =	shalt  }
0x54: {  	_ =	shalt  }
0x55: {  	_ =	shalt  }
0x56: {  	_ =	shalt  }
0x57: {  	_ =	shalt  }
0x58: {  	_ =	shalt  }
0x59: {  	_ =	shalt  }
0x5a: {  	_ =	shalt  }
0x5b: {  	_ =	shalt  }
0x5c: {  	_ =	shalt  }
0x5d: {  	_ =	shalt  }
0x5e: {  	_ =	shalt  }
0x5f: {  	_ =	shalt  }
0x60: {  	_ =	shalt  }
0x61: {  	_ =	shalt  }
0x62: {  	_ =	shalt  }
0x63: {  	_ =	shalt  }
0x64: {  	_ =	shalt  }
0x65: {  	_ =	shalt  }
0x66: {  	_ =	shalt  }
0x67: {  	_ =	shalt  }
0x68: {  	_ =	shalt  }
0x69: {  	_ =	shalt  }
0x6a: {  	_ =	shalt  }
0x6b: {  	_ =	shalt  }
0x6c: {  	_ =	shalt  }
0x6d: {  	_ =	shalt  }
0x6e: {  	_ =	shalt  }
0x6f: {  	_ =	shalt  }
0x70: {  	_ =	shalt  }
0x71: {  	_ =	shalt  }
0x72: {  	_ =	shalt  }
0x73: {  	_ =	shalt  }
0x74: {  	_ =	shalt  }
0x75: {  	_ =	shalt  }
0x76: {  	_ =	shalt  }
0x77: {  	_ =	shalt  }
0x78: {  	_ =	shalt  }
0x79: {  	_ =	shalt  }
0x7a: {  	_ =	shalt  }
0x7b: {  	_ =	shalt  }
0x7c: {  	_ =	shalt  }
0x7d: {  	_ =	shalt  }
0x7e: {  	_ =	shalt  }
0x7f: {  	_ =	shalt  }
0x80: {  	_ =	shalt  }
0x81: {  	_ =	shalt  }
0x82: {  	_ =	shalt  }
0x83: {  	_ =	shalt  }
0x84: {  	_ =	shalt  }
0x85: {  	_ =	shalt  }
0x86: {  	_ =	shalt  }
0x87: {  	_ =	shalt  }
.Lfunc_end0:
.L_simem_size_0:
called_computation_lowered:
.L_overlay_start_0:
0x88: {  	s2 =	sld [smem:$0x3FD9]  }
0x89: {  	s3 =	sld [smem:$0x3FFE];
	_ =	sdelay $0x1  }
0x8a: {  	s1 =	srdreg.scid  }
0x8b: {  	s0 =	sand.u32 $0x1, s1  }
0x8c: {  	s16 =	sshll.u32 s0, $0xA;
	s2 =	sadd.s32 s3, s2  }
0x8d: {  	s2 =	sadd.s32 s2, s16  }
0x8e: {  	[smem:$0x3FB7] =	sst s2  }
0x8f: {  	_ = 	snop  }
0x90: {  	(tm) =	ssettm $0x1  }
0x91: {  	s17 =	sld [smem:$0x3FFB];
	_ =	sdelay $0x3  }
0x92: {  	_ =	strace s17  }
0x93: {  	s2 =	sld [smem:$0x3FFC];
	_ =	sdelay $0x3  }
0x94: {  	_ =	strace s2  }
0x95: {  	s2 =	sld [smem:$0x3FFD];
	_ =	sdelay $0x3  }
0x96: {  	_ =	strace s2  }
0x97: {  	_ =	strace $0x8FFFFFFF  }
0x98: {  	s18 =	sld [smem:$0x3FDB];
	_ =	sdelay $0x1  }
0x99: {  	s19 =	simm.s32 $_scs_section_size  }
0x9a: {  	s4 =	simm.s32 $_size__tile_overlayer_lowered;
	s5 =	simm.s32 $_tile_overlayer_lowered  }
0x9b: {  	s22 =	simm.s32 $0x1BFF;
	s21 =	sshll.u32 s5, $0x1;
	s2 =	sadd.s32 s19, s18  }
0x9c: {  	s6 =	simm.s32 $0x0;
	s20 =	sshll.u32 s4, $0x1;
	s4 =	sadd.s32 s21, s2  }
0x9d: {  	[timem:s6], [sflag:s22] =	dma.local [hbm:s4], s20  }
0x9e: {  	_ =	swait.ge [sflag:s22], s20  }
0x9f: {  	s3 =	ssub.s32 $0x0, s20;
	[sflag:s22] =	ssyncset.done $0x0  }
0xa0: {  	[sflag:s22] =	ssyncadd.s32 s3;
	_ =	sdelay $0x1  }
0xa1: {  	s23 =	simm.s32 $0x1B8B  }
0xa2: {  	_ =	swait.ge [sflag:s23], $0x1  }
0xa3: {  	[sflag:s23] =	ssyncset.done $0x0  }
0xa4: {  	s25 =	simm.s32 $0x1B8E;
	s24 =	sld [smem:$0x3FFE];
	[sflag:s23] =	ssyncadd.s32 $0xFFFFFFFF  }
0xa5: {  	s26 =	simm.s32 $execute0_lowered;
	[smem:$0x3FD2] =	sst s25  }
0xa6: {  	s4 =	sshll.u32 s26, $0x1;
	_ =	strace $0x80000046;
	[dreg:$0x1] =	wrdreg $0xFFFFFFFF  }
0xa7: {  	s28 =	simm.s32 $_size_execute0_lowered;
	s2 =	sadd.s32 s2, s4;
	[dreg:$0x0] =	wrdreg $0x0  }
0xa8: {  	s4 =	sshll.u32 s28, $0x1;
	[dreg:$0x2] =	wrdreg s2  }
0xa9: {  	[dreg:$0x3] =	wrdreg s4  }
0xaa: {  	[dreg:$0x4] =	wrdreg $0xC0  }
0xab: {  	_ =	task [dreg:s6], $0x5FFFF  }
0xac: {  	[dreg:$0x1] =	wrdreg $0xFFFFFFFF  }
0xad: {  	[dreg:$0x0] =	wrdreg $0x60  }
0xae: {  	[dreg:$0x2] =	wrdreg s24  }
0xaf: {  	[dreg:$0x3] =	wrdreg $0x68000  }
0xb0: {  	[dreg:$0x4] =	wrdreg $0x9  }
0xb1: {  	_ =	task.clear_ibuf [dreg:s6], $0x5FFFF;
	_ =	strace $0x90000046  }
0xb2: {  	s29 =	simm.s32 $0x9;
	_ =	strace $0x80000048  }
0xb3: {  	_ =	swait.ge [sflag:s29], $0x1  }
0xb4: {  	[sflag:s29] =	ssyncadd.s32 $0xFFFFFFFF  }
0xb5: {  	_ =	strace $0x90000048  }
0xb6: {  	_ =	sfence  }
0xb7: {  	s30 =	sld [smem:$0x0];
	_ =	sdelay $0x2  }
0xb8: {  	s31 =	sshll.u32 s1, $0xD;
	s1 =	sshrl.u32 s1, $0x2  }
0xb9: {  	s3 =	sand.u32 $0x4000, s31;
	s1 =	sadd.s32 s1, s30  }
0xba: {  	s0 =	sor.u32 s3, s0;
	s1 =	sshll.u32 s1, $0x11  }
0xbb: {  	s0 =	sor.u32 s1, s0  }
0xbc: {  	s0 =	sadd.s32 $0x8F2B, s0  }
0xbd: {  	[sflag:s0] =	ssyncadd.remote.s32 $0x1  }
0xbe: {  	_ =	sfence.sel $0xFFFF  }
0xbf: {  	[dreg:$0x0] =	wrdreg $0xFFFFFFFF;
	(pc) =	sbr.abs _section_cstart, $3  }
0xc0: {  	[dreg:$0x1] =	wrdreg $0xFFFFFFFF  }
0xc1: {  	_ =	task.clear_ibuf [dreg:s6], $0x2FFFF;
	_ =	strace $0x9FFFFFFF  }
0xc2: {  	(tm) =	ssettm $0x7FFFFFFF  }
0xc3: {  	_ =	shalt  }
tec
execute0_lowered:
.L_overlay_start_1:
0x0: {  	(tag) =	ssettag $0x1  }
0x1: {  	s0 =	srdreg.scid;
	s6 =	rddreg [dreg:$0x0]  }
0x2: {  	s2 =	rddreg [dreg:$0x1];
	s5 =	sand.u32 $0x1, s0  }
0x3: {  	s0 =	stileid.u32;
	s4 =	smul.u32 $0x50000, s5  }
0x4: {  	s1 =	rddreg [dreg:$0x2];
	s3 =	simm.s32 $0x0;
	s7 =	smul.u32 $0x2800, s0  }
0x5: {  	s15 =	simm.s32 $0x80;
	[smem:$0x7FF] =	sst s3;
	s8 =	smul.u32 $0x280000, s5  }
0x6: {  	s16 =	simm.s32 $0x0;
	s28 =	smul.u32 $0x14000, s0;
	_ =	strace $0x80000047  }
0x7: {  	s29 =	ssub.s32 $0x2, s5;
	s10 =	smul.u32 $0x50000, s0;
	s13 =	sshll.u32 s0, $0x6  }
0x8: {  	s5 =	sadd.s32 $0x18E00, s6;
	s30 =	sshrl.u32 s29, $0x1;
	s13 =	sor.u32 $0x1C01, s13  }
0x9: {  	s4 =	sadd.s32 s7, s4;
	s7 =	sadd.s32 s28, s8;
	s12 =	ssub.s32 s29, s30  }
0xa: {  	s31 =	sshrl.u32 s10, $0x2;
	s4 =	sshrl.u32 s4, $0x3;
	s7 =	sshrl.u32 s7, $0x3  }
0xb: {  	s14 =	sadd.s32 s31, s2;
	s10 =	smax.u32 s12, $0x1;
	s12 =	simm.s32 $0x1  }
0xc: {  	s9 =	sadd.s32 s4, s6;
	s4 =	sadd.s32 $0x18600, s6;
	s11 =	sadd.s32 s7, s6  }
0xd: {  	s14 =	sshrl.u32 s14, $0x3;
	s6 =	sadd.s32 $0x4600, s9;
	s7 =	sadd.s32 $0x1B600, s11  }
0xe: {  	s8 =	sadd.s32 $0x9600, s9;
	s9 =	sadd.s32 $0x43600, s11;
	s11 =	simm.s32 $0x2800  }
.LBB2_1:
0xf: {  	[tilespmem:s11], [sflag:$0x1] =	stream.linear.gather [hbm4b:s4+s3], $0x4000, $0x38;
	[tilespmem:$0x1A800] =	vst v63  }
0x10: {  	_ =	swait.ge [sflag:s12], $0x4000  }
0x11: {  	[sflag:s12] =	ssyncset.done $0x0  }
0x12: {  	[sflag:s12] =	ssyncadd.s32 $0xFFFFC000  }
0x13: {  	[tilespmem:s3], [sflag:$0x1] =	stream.linear.gather [hbm4b:s6+s3], $0x2780, $0x38;
	[tilespmem:$0x1A800] =	vst v63  }
0x14: {  	_ =	swait.ge [sflag:s12], $0x2780  }
0x15: {  	[sflag:s12] =	ssyncset.done $0x0  }
0x16: {  	[sflag:s12] =	ssyncadd.s32 $0xFFFFD880  }
0x17: {  	[spmem:s14], [sflag:s13] =	dma.local [hbm:s5], $0x2800  }
0x18: {  	_ =	swait.ge [sflag:s12], $0x2800  }
0x19: {  	[sflag:s12] =	ssyncset.done $0x0  }
0x1a: {  	[sflag:s12] =	ssyncadd.s32 $0xFFFFD800  }
0x1b: {  	s17 =	simm.s32 $0x0;
	[bflag:$0x0] =	sbarrier.arrive $0xFFFF  }
0x1c: {  	[spmem:s2] =	stream.indirect.scatter.add.f32 [tilespmem:s11], [sflag:$0x1], $0x80, s17, s15, $0xb8;
	[tilespmem:$0x1A800] =	vst v63  }
0x1d: {  	_ =	swait.ge [sflag:s12], $0x4000  }
0x1e: {  	s17 =	simm.s32 $0x200;
	[sflag:s12] =	ssyncset.done $0x0  }
.LBB2_2:
0x1f: {  	s18 =	sshra.s32 s17, $0x2;
	[sflag:s12] =	ssyncadd.s32 $0xFFFFC000;
	p0 =	sne.s32 s17, $0x9C00  }
0x20: {  	[spmem:s2] =	stream.indirect.scatter.add.f32 [tilespmem:s11], [sflag:$0x1], $0x80, s18, s15, $0xb8;
	[tilespmem:$0x1A800] =	vst v63  }
.Ltmp0:
0x21: {  	_ = 	snop;
	(pc) =	sbr.rel @p0 .LBB2_2-.Ltmp0, $4  }
0x22: {  	_ = 	snop  }
0x23: {  	s17 =	sadd.s32 $0x200, s17  }
0x24: {  	_ =	swait.ge [sflag:s12], $0x4000  }
0x25: {  	[sflag:s12] =	ssyncset.done $0x0  }
0x26: {  	[sflag:s12] =	ssyncadd.s32 $0xFFFFC000  }
0x27: {  	[bflag:$0x0] =	sbarrier.arrive $0xFFFF  }
0x28: {  	[hbm:s7], [sflag:s13] =	dma.local [spmem:s14], $0x2800  }
0x29: {  	_ =	swait.ge [sflag:s12], $0x2800  }
0x2a: {  	[sflag:s12] =	ssyncset.done $0x0  }
0x2b: {  	[sflag:s12] =	ssyncadd.s32 $0xFFFFD800  }
0x2c: {  	s17 =	simm.s32 $0x0;
	[bflag:$0x0] =	sbarrier.arrive $0xFFFF  }
0x2d: {  	[tilespmem:s17], [sflag:$0x1] =	stream.linear.gather [hbm4b:s8+s17], $0x2780, $0x38;
	[tilespmem:$0x1A800] =	vst v63  }
0x2e: {  	_ =	swait.ge [sflag:s12], $0x2780  }
0x2f: {  	[sflag:s12] =	ssyncset.done $0x0  }
0x30: {  	[sflag:s12] =	ssyncadd.s32 $0xFFFFD880  }
0x31: {  	[spmem:s14], [sflag:s13] =	dma.local [hbm:s5], $0x2800  }
0x32: {  	_ =	swait.ge [sflag:s12], $0x2800  }
0x33: {  	[sflag:s12] =	ssyncset.done $0x0  }
0x34: {  	[sflag:s12] =	ssyncadd.s32 $0xFFFFD800  }
0x35: {  	s31 =	simm.s32 $0x0;
	[bflag:$0x0] =	sbarrier.arrive $0xFFFF  }
0x36: {  	[spmem:s2] =	stream.indirect.scatter.add.f32 [tilespmem:s11], [sflag:$0x1], $0x80, s31, s15, $0xb8;
	[tilespmem:$0x1A800] =	vst v63  }
0x37: {  	_ =	swait.ge [sflag:s12], $0x4000  }
0x38: {  	s17 =	simm.s32 $0x200;
	[sflag:s12] =	ssyncset.done $0x0  }
.LBB2_4:
0x39: {  	s18 =	sshra.s32 s17, $0x2;
	[sflag:s12] =	ssyncadd.s32 $0xFFFFC000;
	p0 =	sne.s32 s17, $0x9C00  }
0x3a: {  	[spmem:s2] =	stream.indirect.scatter.add.f32 [tilespmem:s11], [sflag:$0x1], $0x80, s18, s15, $0xb8;
	[tilespmem:$0x1A800] =	vst v63  }
.Ltmp1:
0x3b: {  	_ = 	snop;
	(pc) =	sbr.rel @p0 .LBB2_4-.Ltmp1, $4  }
0x3c: {  	_ = 	snop  }
0x3d: {  	s17 =	sadd.s32 $0x200, s17  }
0x3e: {  	_ =	swait.ge [sflag:s12], $0x4000  }
0x3f: {  	[sflag:s12] =	ssyncset.done $0x0  }
0x40: {  	[sflag:s12] =	ssyncadd.s32 $0xFFFFC000;
	s16 =	sadd.s32 $0x1, s16  }
0x41: {  	[bflag:$0x0] =	sbarrier.arrive $0xFFFF;
	p0 =	sne.s32 s16, s10  }
0x42: {  	[hbm:s9], [sflag:s13] =	dma.local [spmem:s14], $0x2800  }
.Ltmp2:
0x43: {  	_ =	swait.ge [sflag:s12], $0x2800;
	(pc) =	sbr.rel @p0 .LBB2_1-.Ltmp2, $3  }
0x44: {  	[sflag:s12] =	ssyncset.done $0x0  }
0x45: {  	[sflag:s12] =	ssyncadd.s32 $0xFFFFD800  }
0x46: {  	[bflag:$0x0] =	sbarrier.arrive $0xFFFF;
	_ =	sdelay $0x1  }
0x47: {  	_ =	sfence.sel $0x180000  }
0x48: {  	[bflag:$0x0] =	sbarrier.arrive $0xFFFF  }
0x49: {  	p0 =	sne.s32 s0, $0x0;
	_ =	strace $0x90000047  }
0x4a: {  	s0 =	sadd.s32 @!p0 $0x100000, s1;
	[bflag:$0x2] =	sbarrier.arrive $0xFFFF  }
0x4b: {  	[sflag:s0] =	ssyncadd.tile.s32 @!p0 $0x1;
	_ =	shalt  }
.Lfunc_end2:
_tile_overlayer_lowered:
.L_overlay_start_2:
0x4c: {  	(tag) =	ssettag $0x2  }
0x4d: {  	s0 =	rddreg [dreg:$0x0];
	s2 =	stileid.u32  }
0x4e: {  	s1 =	rddreg [dreg:$0x1];
	p0 =	sne.s32 s2, $0x0  }
0x4f: {  	s3 =	rddreg [dreg:$0x2];
	[bflag:$0x3] =	sbarrier.arrive $0xFFFF;
	s2 =	simm.s32 @!p0 $0x1C01  }
0x50: {  	[timem:s3], [sflag:s2] =	dma.local @!p0 [hbm:s0], s1  }
0x51: {  	s0 =	simm.s32 @!p0 $0x1  }
0x52: {  	_ =	swait.ge @!p0 [sflag:s0], s1  }
0x53: {  	s1 =	ssub.s32 @!p0 $0x0, s1;
	[sflag:s0] =	ssyncset.done @!p0 $0x0  }
0x54: {  	[sflag:s0] =	ssyncadd.s32 @!p0 s1  }
0x55: {  	[bflag:$0x3] =	sbarrier.arrive $0xFFFF  }
0x56: {  	_ =	shalt  }

// kernel: kernel.13.cloned.1.call-start
scs
__scs_entry_jumppad:
0x0: {  	(pc) =	sbr.rel $0x88, $3  }
0x1: {  	(tag) =	ssettag $0x0;
	lr =	simm.s32 $0x1  }
0x2: {  	[smem:$0x3F90] =	sst lr;
	_ =	strace $0xD0000000  }
0x3: {  	_ = 	snop  }
0x4: {  	_ = 	snop  }
0x5: {  	_ = 	snop  }
0x6: {  	_ = 	snop  }
0x7: {  	_ = 	snop  }
__scs_overlays_trampoline_lowered:
0x8: {  	[smem:$0x3F9F] =	sst s0  }
0x9: {  	[smem:$0x3FA0] =	sst s1  }
0xa: {  	[smem:$0x3FA1] =	sst s2  }
0xb: {  	[smem:$0x3FA2] =	sst s3  }
0xc: {  	[smem:$0x3FA3] =	sst s4  }
0xd: {  	[smem:$0x3FA4] =	sst s5  }
0xe: {  	[smem:$0x3FA5] =	sst s6  }
0xf: {  	[smem:$0x3FA6] =	sst s7  }
0x10: {  	[smem:$0x3FA7] =	sst s8  }
0x11: {  	[smem:$0x3FA8] =	sst s9;
	s0 =	simm.s32 @!p0 $0x0  }
0x12: {  	s1 =	sld [smem:$0x3F8E];
	s0 =	simm.s32 @p0 $0x1  }
0x13: {  	[smem:$0x3FA9] =	sst s0;
	s0 =	simm.s32 @!p1 $0x0  }
0x14: {  	s2 =	sld [smem:$0x3F8D];
	s0 =	simm.s32 @p1 $0x1  }
0x15: {  	[smem:$0x3FAA] =	sst s0;
	s0 =	simm.s32 @!p2 $0x0  }
0x16: {  	s3 =	sld [smem:$0x3FDB];
	s0 =	simm.s32 @p2 $0x1  }
0x17: {  	s4 =	simm.s32 $0x1BF5;
	[smem:$0x3FAC] =	sst s0  }
0x18: {  	s0 =	sld [smem:$0x3F8F];
	_ =	swait.ge [sflag:s4], $0x0  }
0x19: {  	s7 =	sld [smem:$0x3F90]  }
0x1a: {  	s8 =	sadd.s32 $0xFFFFE003, lr  }
0x1b: {  	s9 =	sadd.s32 $0xFFFFFEF7, lr;
	s5 =	simm.s32 $0xFFFFFFFF;
	p2 =	slt.u32 s8, $0xFFFFF086  }
0x1c: {  	p1 =	slt.u32 s9, $0xF7A;
	s5 =	simm.s32 @!p2 $0x0  }
0x1d: {  	s5 =	simm.s32 @p1 $0x1;
	p0 =	seq.s32 s7, s2  }
0x1e: {  	s7 =	smul.u32 @!p0 $0xF7A, s2;
	p2 =	seq.s32 @!p0 s5, $0x0  }
0x1f: {  	s9 =	smul.u32 $0xF7A, s1;
	s8 =	simm.s32 @!p0 $0x1BF5;
	p2 =	por !p2, p0  }
0x20: {  	[sflag:s8] =	ssyncset.s32 @!p0 $0xFFFFF086;
	s6 =	sadd.s32 @!p0 s3, s7;
	s7 =	simm.s32 @!p0 $0x108  }
0x21: {  	s3 =	sadd.s32 s3, s9;
	s6 =	sadd.s32 @!p0 $0x88, s6;
	s7 =	simm.s32 @p2 $0x1082  }
0x22: {  	[simem:s7], [sflag:s8] =	dma.local @!p0 [hbm:s6], $0xF7A  }
0x23: {  	s9 =	sor.u32 $0xD0000000, s2;
	s6 =	simm.s32 $0x108;
	_ =	swait.ge @!p0 [sflag:s8], $0x0  }
0x24: {  	s3 =	sadd.s32 $0x88, s3;
	s6 =	simm.s32 @!p1 $0x1082;
	[sflag:s4] =	ssyncset.s32 $0xFFFFF086  }
0x25: {  	[simem:s6], [sflag:s4] =	dma.local [hbm:s3], $0xF7A  }
0x26: {  	[smem:$0x3F90] =	sst s1;
	(tag) =	ssettag s2;
	_ =	strace s9  }
0x27: {  	s1 =	sld [smem:$0x3FA0]  }
0x28: {  	s2 =	sld [smem:$0x3FA1]  }
0x29: {  	s4 =	sld [smem:$0x3FA3]  }
0x2a: {  	p0 =	seq.s32 s5, $0x0;
	s5 =	sld [smem:$0x3FA4]  }
0x2b: {  	s6 =	sld [smem:$0x3FA5]  }
0x2c: {  	s7 =	sld [smem:$0x3FA6]  }
0x2d: {  	s3 =	simm.s32 $0x108;
	s8 =	sld [smem:$0x3FA7]  }
0x2e: {  	s3 =	simm.s32 @!p0 $0x1082;
	s9 =	sld [smem:$0x3FA8]  }
0x2f: {  	lr =	sadd.s32 s0, s3;
	s0 =	sld [smem:$0x3F9F]  }
0x30: {  	s3 =	sld [smem:$0x3FA2]  }
0x31: {  	[smem:$0x3FAB] =	sst s10  }
0x32: {  	s10 =	sld [smem:$0x3FA9];
	_ =	sdelay $0x3  }
0x33: {  	p0 =	seq.s32 s10, $0x1;
	s10 =	sld [smem:$0x3FAB];
	_ =	sdelay $0x3  }
0x34: {  	[smem:$0x3FAB] =	sst s10  }
0x35: {  	s10 =	sld [smem:$0x3FAA];
	_ =	sdelay $0x3  }
0x36: {  	p1 =	seq.s32 s10, $0x1;
	s10 =	sld [smem:$0x3FAB];
	_ =	sdelay $0x3  }
0x37: {  	[smem:$0x3FAB] =	sst s10  }
0x38: {  	s10 =	sld [smem:$0x3FAC]  }
0x39: {  	_ = 	snop;
	(pc) =	sbr.ind lr, $3  }
0x3a: {  	_ = 	snop  }
0x3b: {  	_ = 	snop  }
0x3c: {  	p2 =	seq.s32 s10, $0x1;
	s10 =	sld [smem:$0x3FAB]  }
0x3d: {  	_ =	shalt  }
0x3e: {  	_ =	shalt  }
0x3f: {  	_ =	shalt  }
0x40: {  	_ =	shalt  }
0x41: {  	_ =	shalt  }
0x42: {  	_ =	shalt  }
0x43: {  	_ =	shalt  }
0x44: {  	_ =	shalt  }
0x45: {  	_ =	shalt  }
0x46: {  	_ =	shalt  }
0x47: {  	_ =	shalt  }
0x48: {  	_ =	shalt  }
0x49: {  	_ =	shalt  }
0x4a: {  	_ =	shalt  }
0x4b: {  	_ =	shalt  }
0x4c: {  	_ =	shalt  }
0x4d: {  	_ =	shalt  }
0x4e: {  	_ =	shalt  }
0x4f: {  	_ =	shalt  }
0x50: {  	_ =	shalt  }
0x51: {  	_ =	shalt  }
0x52: {  	_ =	shalt  }
0x53: {  	_ =	shalt  }
0x54: {  	_ =	shalt  }
0x55: {  	_ =	shalt  }
0x56: {  	_ =	shalt  }
0x57: {  	_ =	shalt  }
0x58: {  	_ =	shalt  }
0x59: {  	_ =	shalt  }
0x5a: {  	_ =	shalt  }
0x5b: {  	_ =	shalt  }
0x5c: {  	_ =	shalt  }
0x5d: {  	_ =	shalt  }
0x5e: {  	_ =	shalt  }
0x5f: {  	_ =	shalt  }
0x60: {  	_ =	shalt  }
0x61: {  	_ =	shalt  }
0x62: {  	_ =	shalt  }
0x63: {  	_ =	shalt  }
0x64: {  	_ =	shalt  }
0x65: {  	_ =	shalt  }
0x66: {  	_ =	shalt  }
0x67: {  	_ =	shalt  }
0x68: {  	_ =	shalt  }
0x69: {  	_ =	shalt  }
0x6a: {  	_ =	shalt  }
0x6b: {  	_ =	shalt  }
0x6c: {  	_ =	shalt  }
0x6d: {  	_ =	shalt  }
0x6e: {  	_ =	shalt  }
0x6f: {  	_ =	shalt  }
0x70: {  	_ =	shalt  }
0x71: {  	_ =	shalt  }
0x72: {  	_ =	shalt  }
0x73: {  	_ =	shalt  }
0x74: {  	_ =	shalt  }
0x75: {  	_ =	shalt  }
0x76: {  	_ =	shalt  }
0x77: {  	_ =	shalt  }
0x78: {  	_ =	shalt  }
0x79: {  	_ =	shalt  }
0x7a: {  	_ =	shalt  }
0x7b: {  	_ =	shalt  }
0x7c: {  	_ =	shalt  }
0x7d: {  	_ =	shalt  }
0x7e: {  	_ =	shalt  }
0x7f: {  	_ =	shalt  }
0x80: {  	_ =	shalt  }
0x81: {  	_ =	shalt  }
0x82: {  	_ =	shalt  }
0x83: {  	_ =	shalt  }
0x84: {  	_ =	shalt  }
0x85: {  	_ =	shalt  }
0x86: {  	_ =	shalt  }
0x87: {  	_ =	shalt  }
.Lfunc_end0:
.L_simem_size_0:
called_computation.1_lowered:
.L_overlay_start_0:
0x88: {  	s2 =	sld [smem:$0x3FD9]  }
0x89: {  	s3 =	sld [smem:$0x3FFE];
	_ =	sdelay $0x1  }
0x8a: {  	s1 =	srdreg.scid  }
0x8b: {  	s0 =	sand.u32 $0x1, s1  }
0x8c: {  	s17 =	sshll.u32 s0, $0xA;
	s2 =	sadd.s32 s3, s2  }
0x8d: {  	s2 =	sadd.s32 s2, s17  }
0x8e: {  	[smem:$0x3FB7] =	sst s2  }
0x8f: {  	_ = 	snop  }
0x90: {  	s2 =	sld [smem:$0x3FD0];
	(tm) =	ssettm $0x1  }
0x91: {  	s18 =	sld [smem:$0x3FFB];
	_ =	sdelay $0x3  }
0x92: {  	_ =	strace s18  }
0x93: {  	s3 =	sld [smem:$0x3FFC];
	_ =	sdelay $0x3  }
0x94: {  	_ =	strace s3  }
0x95: {  	s3 =	sld [smem:$0x3FFD];
	_ =	sdelay $0x3  }
0x96: {  	_ =	strace s3  }
0x97: {  	_ =	strace $0x8FFFFFFF  }
0x98: {  	s19 =	sld [smem:$0x3FDB];
	_ =	sdelay $0x1  }
0x99: {  	s4 =	simm.s32 $_scs_section_size  }
0x9a: {  	s5 =	simm.s32 $_size__tile_overlayer_lowered;
	s6 =	simm.s32 $_tile_overlayer_lowered  }
0x9b: {  	s22 =	simm.s32 $0x1BFF;
	s21 =	sshll.u32 s6, $0x1;
	s3 =	sadd.s32 s4, s19  }
0x9c: {  	s7 =	simm.s32 $0x0;
	s20 =	sshll.u32 s5, $0x1;
	s5 =	sadd.s32 s21, s3  }
0x9d: {  	[timem:s7], [sflag:s22] =	dma.local [hbm:s5], s20  }
0x9e: {  	_ =	swait.ge [sflag:s22], s20  }
0x9f: {  	s4 =	ssub.s32 $0x0, s20;
	[sflag:s22] =	ssyncset.done $0x0  }
0xa0: {  	[sflag:s22] =	ssyncadd.s32 s4;
	_ =	sdelay $0x1  }
0xa1: {  	s23 =	simm.s32 $0x1B8B  }
0xa2: {  	_ =	swait.ge [sflag:s23], $0x1  }
0xa3: {  	[sflag:s23] =	ssyncset.done $0x0  }
0xa4: {  	s25 =	simm.s32 $0x1B8E;
	s24 =	sld [smem:$0x3FFE];
	[sflag:s23] =	ssyncadd.s32 $0xFFFFFFFF  }
0xa5: {  	s26 =	simm.s32 $execute0_lowered;
	[smem:$0x3FD2] =	sst s25  }
0xa6: {  	s5 =	sshll.u32 s26, $0x1;
	_ =	strace $0x80000049;
	[dreg:$0x1] =	wrdreg $0xFFFFFFFF  }
0xa7: {  	s28 =	simm.s32 $_size_execute0_lowered;
	s3 =	sadd.s32 s3, s5;
	[dreg:$0x0] =	wrdreg $0x0  }
0xa8: {  	s5 =	sshll.u32 s28, $0x1;
	[dreg:$0x2] =	wrdreg s3  }
0xa9: {  	[dreg:$0x3] =	wrdreg s5  }
0xaa: {  	[dreg:$0x4] =	wrdreg $0xC0  }
0xab: {  	_ =	task [dreg:s7], $0x5FFFF  }
0xac: {  	[dreg:$0x1] =	wrdreg $0xFFFFFFFF  }
0xad: {  	[dreg:$0x0] =	wrdreg $0x60  }
0xae: {  	[dreg:$0x2] =	wrdreg s24  }
0xaf: {  	[dreg:$0x3] =	wrdreg s2  }
0xb0: {  	[dreg:$0x4] =	wrdreg $0x90000  }
0xb1: {  	[dreg:$0x5] =	wrdreg $0x9  }
0xb2: {  	_ =	task.clear_ibuf [dreg:s7], $0x6FFFF;
	_ =	strace $0x90000049  }
0xb3: {  	s29 =	simm.s32 $0x9;
	_ =	strace $0x8000004B  }
0xb4: {  	_ =	swait.ge [sflag:s29], $0x1  }
0xb5: {  	[sflag:s29] =	ssyncadd.s32 $0xFFFFFFFF  }
0xb6: {  	_ =	strace $0x9000004B  }
0xb7: {  	_ =	sfence  }
0xb8: {  	s30 =	sld [smem:$0x0];
	_ =	sdelay $0x2  }
0xb9: {  	s31 =	sshll.u32 s1, $0xD;
	s1 =	sshrl.u32 s1, $0x2  }
0xba: {  	s3 =	sand.u32 $0x4000, s31;
	s1 =	sadd.s32 s1, s30  }
0xbb: {  	s0 =	sor.u32 s3, s0;
	s1 =	sshll.u32 s1, $0x11  }
0xbc: {  	s0 =	sor.u32 s1, s0  }
0xbd: {  	s0 =	sadd.s32 $0x8F2B, s0  }
0xbe: {  	[sflag:s0] =	ssyncadd.remote.s32 $0x1  }
0xbf: {  	_ =	sfence.sel $0xFFFF  }
0xc0: {  	[dreg:$0x0] =	wrdreg $0xFFFFFFFF;
	(pc) =	sbr.abs _section_cstart, $3  }
0xc1: {  	[dreg:$0x1] =	wrdreg $0xFFFFFFFF  }
0xc2: {  	_ =	task.clear_ibuf [dreg:s7], $0x2FFFF;
	_ =	strace $0x9FFFFFFF  }
0xc3: {  	(tm) =	ssettm $0x7FFFFFFF  }
tec
execute0_lowered:
.L_overlay_start_1:
0x0: {  	(tag) =	ssettag $0x1  }
0x1: {  	s6 =	rddreg [dreg:$0x0]  }
0x2: {  	s7 =	rddreg [dreg:$0x1]  }
0x3: {  	s0 =	srdreg.scid;
	s2 =	rddreg [dreg:$0x2]  }
0x4: {  	s1 =	rddreg [dreg:$0x3];
	s5 =	sand.u32 $0x1, s0  }
0x5: {  	s0 =	stileid.u32;
	s4 =	smul.u32 $0x28000, s5  }
0x6: {  	s3 =	simm.s32 $0x0;
	s14 =	simm.s32 $0x80;
	s8 =	smul.u32 $0x2800, s0  }
0x7: {  	s15 =	simm.s32 $0x5000;
	s16 =	simm.s32 $0x1;
	s9 =	smul.u32 $0x140000, s5  }
0x8: {  	s17 =	simm.s32 $0x0;
	[smem:$0x7FF] =	sst s3;
	s10 =	smul.u32 $0x14000, s0  }
0x9: {  	_ =	strace $0x8000004A;
	s29 =	ssub.s32 $0x2, s5;
	s13 =	smul.u32 $0x50000, s0  }
0xa: {  	s5 =	sadd.s32 $0x18E00, s6;
	s31 =	sshll.u32 s0, $0x6;
	s12 =	sshrl.u32 s29, $0x1  }
0xb: {  	s8 =	sadd.s32 s8, s4;
	s4 =	sadd.s32 $0xC5600, s6;
	s9 =	sadd.s32 s10, s9  }
0xc: {  	s10 =	ssub.s32 s29, s12;
	s30 =	sshrl.u32 s13, $0x2;
	s12 =	sor.u32 $0x1C02, s31  }
0xd: {  	s8 =	sshrl.u32 s8, $0x3;
	s9 =	sshrl.u32 s9, $0x3;
	s13 =	sadd.s32 s30, s2  }
0xe: {  	s11 =	sadd.s32 s8, s6;
	s9 =	sadd.s32 s9, s6;
	s7 =	sadd.s32 s7, s8  }
0xf: {  	s13 =	sshrl.u32 s13, $0x3;
	s6 =	sadd.s32 $0xBB600, s11;
	s8 =	sadd.s32 $0xED600, s9  }
0x10: {  	s9 =	smax.u32 s10, $0x1;
	s10 =	simm.s32 $0x2;
	s11 =	simm.s32 $0x2800  }
.LBB2_1:
0x11: {  	[tilespmem:s3], [sflag:$0x2] =	stream.linear.gather [hbm4b:s6+s3], $0x2780, $0x38;
	[tilespmem:$0x1D000] =	vst v63  }
0x12: {  	_ =	swait.ge [sflag:s10], $0x2780  }
0x13: {  	[sflag:s10] =	ssyncset.done $0x0  }
0x14: {  	[sflag:s10] =	ssyncadd.s32 $0xFFFFD880  }
0x15: {  	[tilespmem:s11], [sflag:$0x2] =	stream.linear.gather [hbm4b:s7+s3], $0x2780, $0x38;
	[tilespmem:$0x1D000] =	vst v63  }
0x16: {  	_ =	swait.ge [sflag:s10], $0x2780  }
0x17: {  	[sflag:s10] =	ssyncset.done $0x0  }
0x18: {  	[sflag:s10] =	ssyncadd.s32 $0xFFFFD880  }
0x19: {  	[spmem:s13], [sflag:s12] =	dma.local [hbm:s5], $0x2800  }
0x1a: {  	_ =	swait.ge [sflag:s10], $0x2800  }
0x1b: {  	[sflag:s10] =	ssyncset.done $0x0  }
0x1c: {  	[sflag:s10] =	ssyncadd.s32 $0xFFFFD800  }
0x1d: {  	s18 =	simm.s32 $0x0;
	[bflag:$0x0] =	sbarrier.arrive $0xFFFF  }
0x1e: {  	[tilespmem:s15], [sflag:$0x1] =	stream.indirect.gather [hbm4b:s4+s14], $0x80, s18, s14, $0xb8;
	[tilespmem:$0x1D000] =	vst v63  }
0x1f: {  	_ =	swait.ge [sflag:s16], $0x4000  }
0x20: {  	[sflag:s16] =	ssyncset.done $0x0  }
0x21: {  	s31 =	simm.s32 $0x2800;
	[sflag:s16] =	ssyncadd.s32 $0xFFFFC000  }
0x22: {  	[spmem:s2] =	stream.indirect.scatter.add.f32 [tilespmem:s15], [sflag:$0x2], $0x80, s31, s14, $0xb8;
	[tilespmem:$0x1D000] =	vst v63  }
0x23: {  	_ =	swait.ge [sflag:s10], $0x4000  }
0x24: {  	s19 =	simm.s32 $0x400;
	s18 =	simm.s32 $0x200;
	[sflag:s10] =	ssyncset.done $0x0  }
.LBB2_2:
0x25: {  	s20 =	sshra.s32 s18, $0x2  }
0x26: {  	[sflag:s10] =	ssyncadd.s32 $0xFFFFC000;
	s18 =	smov.u32 s19;
	s21 =	sadd.s32 $0x200, s19  }
0x27: {  	[tilespmem:s15], [sflag:$0x1] =	stream.indirect.gather [hbm4b:s4+s14], $0x80, s20, s14, $0xb8;
	[tilespmem:$0x1D000] =	vst v63  }
0x28: {  	p0 =	sne.s32 s19, $0x9C00;
	_ =	swait.ge [sflag:s16], $0x4000  }
.Ltmp0:
0x29: {  	[sflag:s16] =	ssyncset.done $0x0;
	(pc) =	sbr.rel @p0 .LBB2_2-.Ltmp0, $4  }
0x2a: {  	s19 =	sadd.s32 $0x2800, s20;
	[sflag:s16] =	ssyncadd.s32 $0xFFFFC000  }
0x2b: {  	[spmem:s2] =	stream.indirect.scatter.add.f32 [tilespmem:s15], [sflag:$0x2], $0x80, s19, s14, $0xb8;
	[tilespmem:$0x1D000] =	vst v63  }
0x2c: {  	_ =	swait.ge [sflag:s10], $0x4000  }
0x2d: {  	s19 =	smov.u32 s21;
	[sflag:s10] =	ssyncset.done $0x0  }
0x2e: {  	s18 =	sshra.s32 s18, $0x2;
	[sflag:s10] =	ssyncadd.s32 $0xFFFFC000  }
0x2f: {  	[tilespmem:s15], [sflag:$0x1] =	stream.indirect.gather [hbm4b:s4+s14], $0x80, s18, s14, $0xb8;
	[tilespmem:$0x1D000] =	vst v63  }
0x30: {  	_ =	swait.ge [sflag:s16], $0x4000  }
0x31: {  	[sflag:s16] =	ssyncset.done $0x0  }
0x32: {  	s18 =	sadd.s32 $0x2800, s18;
	[sflag:s16] =	ssyncadd.s32 $0xFFFFC000  }
0x33: {  	[spmem:s2] =	stream.indirect.scatter.add.f32 [tilespmem:s15], [sflag:$0x2], $0x80, s18, s14, $0xb8;
	[tilespmem:$0x1D000] =	vst v63  }
0x34: {  	_ =	swait.ge [sflag:s10], $0x4000  }
0x35: {  	s17 =	sadd.s32 $0x1, s17;
	[sflag:s10] =	ssyncset.done $0x0  }
0x36: {  	p0 =	sne.s32 s17, s9;
	[sflag:s10] =	ssyncadd.s32 $0xFFFFC000  }
.Ltmp1:
0x37: {  	[bflag:$0x0] =	sbarrier.arrive $0xFFFF;
	(pc) =	sbr.rel @p0 .LBB2_1-.Ltmp1, $4  }
0x38: {  	[hbm:s8], [sflag:s12] =	dma.local [spmem:s13], $0x2800  }
0x39: {  	_ =	swait.ge [sflag:s10], $0x2800  }
0x3a: {  	[sflag:s10] =	ssyncset.done $0x0  }
0x3b: {  	[sflag:s10] =	ssyncadd.s32 $0xFFFFD800  }
0x3c: {  	_ =	sfence.sel $0x180000  }
0x3d: {  	[bflag:$0x0] =	sbarrier.arrive $0xFFFF  }
0x3e: {  	p0 =	sne.s32 s0, $0x0;
	_ =	strace $0x9000004A  }
0x3f: {  	s0 =	sadd.s32 @!p0 $0x100000, s1;
	[bflag:$0x2] =	sbarrier.arrive $0xFFFF  }
0x40: {  	[sflag:s0] =	ssyncadd.tile.s32 @!p0 $0x1;
	_ =	shalt  }
.Lfunc_end2:
_tile_overlayer_lowered:
.L_overlay_start_2:
0x41: {  	(tag) =	ssettag $0x2  }
0x42: {  	s0 =	rddreg [dreg:$0x0];
	s2 =	stileid.u32  }
0x43: {  	s1 =	rddreg [dreg:$0x1];
	p0 =	sne.s32 s2, $0x0  }
0x44: {  	s3 =	rddreg [dreg:$0x2];
	[bflag:$0x3] =	sbarrier.arrive $0xFFFF;
	s2 =	simm.s32 @!p0 $0x1C02  }
0x45: {  	[timem:s3], [sflag:s2] =	dma.local @!p0 [hbm:s0], s1  }
0x46: {  	s0 =	simm.s32 @!p0 $0x2  }
0x47: {  	_ =	swait.ge @!p0 [sflag:s0], s1  }
0x48: {  	s1 =	ssub.s32 @!p0 $0x0, s1;
	[sflag:s0] =	ssyncset.done @!p0 $0x0  }
0x49: {  	[sflag:s0] =	ssyncadd.s32 @!p0 s1  }
0x4a: {  	[bflag:$0x3] =	sbarrier.arrive $0xFFFF  }
0x4b: {  	_ =	shalt  }

// kernel: kernel.16.cloned.1.call-start
scs
__scs_entry_jumppad:
0x0: {  	(pc) =	sbr.rel $0x88, $3  }
0x1: {  	(tag) =	ssettag $0x0;
	lr =	simm.s32 $0x1  }
0x2: {  	[smem:$0x3F90] =	sst lr;
	_ =	strace $0xD0000000  }
0x3: {  	_ = 	snop  }
0x4: {  	_ = 	snop  }
0x5: {  	_ = 	snop  }
0x6: {  	_ = 	snop  }
0x7: {  	_ = 	snop  }
__scs_overlays_trampoline_lowered:
0x8: {  	[smem:$0x3F9F] =	sst s0  }
0x9: {  	[smem:$0x3FA0] =	sst s1  }
0xa: {  	[smem:$0x3FA1] =	sst s2  }
0xb: {  	[smem:$0x3FA2] =	sst s3  }
0xc: {  	[smem:$0x3FA3] =	sst s4  }
0xd: {  	[smem:$0x3FA4] =	sst s5  }
0xe: {  	[smem:$0x3FA5] =	sst s6  }
0xf: {  	[smem:$0x3FA6] =	sst s7  }
0x10: {  	[smem:$0x3FA7] =	sst s8  }
0x11: {  	[smem:$0x3FA8] =	sst s9;
	s0 =	simm.s32 @!p0 $0x0  }
0x12: {  	s1 =	sld [smem:$0x3F8E];
	s0 =	simm.s32 @p0 $0x1  }
0x13: {  	[smem:$0x3FA9] =	sst s0;
	s0 =	simm.s32 @!p1 $0x0  }
0x14: {  	s2 =	sld [smem:$0x3F8D];
	s0 =	simm.s32 @p1 $0x1  }
0x15: {  	[smem:$0x3FAA] =	sst s0;
	s0 =	simm.s32 @!p2 $0x0  }
0x16: {  	s3 =	sld [smem:$0x3FDB];
	s0 =	simm.s32 @p2 $0x1  }
0x17: {  	s4 =	simm.s32 $0x1BF5;
	[smem:$0x3FAC] =	sst s0  }
0x18: {  	s0 =	sld [smem:$0x3F8F];
	_ =	swait.ge [sflag:s4], $0x0  }
0x19: {  	s7 =	sld [smem:$0x3F90]  }
0x1a: {  	s8 =	sadd.s32 $0xFFFFE003, lr  }
0x1b: {  	s9 =	sadd.s32 $0xFFFFFEF7, lr;
	s5 =	simm.s32 $0xFFFFFFFF;
	p2 =	slt.u32 s8, $0xFFFFF086  }
0x1c: {  	p1 =	slt.u32 s9, $0xF7A;
	s5 =	simm.s32 @!p2 $0x0  }
0x1d: {  	s5 =	simm.s32 @p1 $0x1;
	p0 =	seq.s32 s7, s2  }
0x1e: {  	s7 =	smul.u32 @!p0 $0xF7A, s2;
	p2 =	seq.s32 @!p0 s5, $0x0  }
0x1f: {  	s9 =	smul.u32 $0xF7A, s1;
	s8 =	simm.s32 @!p0 $0x1BF5;
	p2 =	por !p2, p0  }
0x20: {  	[sflag:s8] =	ssyncset.s32 @!p0 $0xFFFFF086;
	s6 =	sadd.s32 @!p0 s3, s7;
	s7 =	simm.s32 @!p0 $0x108  }
0x21: {  	s3 =	sadd.s32 s3, s9;
	s6 =	sadd.s32 @!p0 $0x88, s6;
	s7 =	simm.s32 @p2 $0x1082  }
0x22: {  	[simem:s7], [sflag:s8] =	dma.local @!p0 [hbm:s6], $0xF7A  }
0x23: {  	s9 =	sor.u32 $0xD0000000, s2;
	s6 =	simm.s32 $0x108;
	_ =	swait.ge @!p0 [sflag:s8], $0x0  }
0x24: {  	s3 =	sadd.s32 $0x88, s3;
	s6 =	simm.s32 @!p1 $0x1082;
	[sflag:s4] =	ssyncset.s32 $0xFFFFF086  }
0x25: {  	[simem:s6], [sflag:s4] =	dma.local [hbm:s3], $0xF7A  }
0x26: {  	[smem:$0x3F90] =	sst s1;
	(tag) =	ssettag s2;
	_ =	strace s9  }
0x27: {  	s1 =	sld [smem:$0x3FA0]  }
0x28: {  	s2 =	sld [smem:$0x3FA1]  }
0x29: {  	s4 =	sld [smem:$0x3FA3]  }
0x2a: {  	p0 =	seq.s32 s5, $0x0;
	s5 =	sld [smem:$0x3FA4]  }
0x2b: {  	s6 =	sld [smem:$0x3FA5]  }
0x2c: {  	s7 =	sld [smem:$0x3FA6]  }
0x2d: {  	s3 =	simm.s32 $0x108;
	s8 =	sld [smem:$0x3FA7]  }
0x2e: {  	s3 =	simm.s32 @!p0 $0x1082;
	s9 =	sld [smem:$0x3FA8]  }
0x2f: {  	lr =	sadd.s32 s0, s3;
	s0 =	sld [smem:$0x3F9F]  }
0x30: {  	s3 =	sld [smem:$0x3FA2]  }
0x31: {  	[smem:$0x3FAB] =	sst s10  }
0x32: {  	s10 =	sld [smem:$0x3FA9];
	_ =	sdelay $0x3  }
0x33: {  	p0 =	seq.s32 s10, $0x1;
	s10 =	sld [smem:$0x3FAB];
	_ =	sdelay $0x3  }
0x34: {  	[smem:$0x3FAB] =	sst s10  }
0x35: {  	s10 =	sld [smem:$0x3FAA];
	_ =	sdelay $0x3  }
0x36: {  	p1 =	seq.s32 s10, $0x1;
	s10 =	sld [smem:$0x3FAB];
	_ =	sdelay $0x3  }
0x37: {  	[smem:$0x3FAB] =	sst s10  }
0x38: {  	s10 =	sld [smem:$0x3FAC]  }
0x39: {  	_ = 	snop;
	(pc) =	sbr.ind lr, $3  }
0x3a: {  	_ = 	snop  }
0x3b: {  	_ = 	snop  }
0x3c: {  	p2 =	seq.s32 s10, $0x1;
	s10 =	sld [smem:$0x3FAB]  }
0x3d: {  	_ =	shalt  }
0x3e: {  	_ =	shalt  }
0x3f: {  	_ =	shalt  }
0x40: {  	_ =	shalt  }
0x41: {  	_ =	shalt  }
0x42: {  	_ =	shalt  }
0x43: {  	_ =	shalt  }
0x44: {  	_ =	shalt  }
0x45: {  	_ =	shalt  }
0x46: {  	_ =	shalt  }
0x47: {  	_ =	shalt  }
0x48: {  	_ =	shalt  }
0x49: {  	_ =	shalt  }
0x4a: {  	_ =	shalt  }
0x4b: {  	_ =	shalt  }
0x4c: {  	_ =	shalt  }
0x4d: {  	_ =	shalt  }
0x4e: {  	_ =	shalt  }
0x4f: {  	_ =	shalt  }
0x50: {  	_ =	shalt  }
0x51: {  	_ =	shalt  }
0x52: {  	_ =	shalt  }
0x53: {  	_ =	shalt  }
0x54: {  	_ =	shalt  }
0x55: {  	_ =	shalt  }
0x56: {  	_ =	shalt  }
0x57: {  	_ =	shalt  }
0x58: {  	_ =	shalt  }
0x59: {  	_ =	shalt  }
0x5a: {  	_ =	shalt  }
0x5b: {  	_ =	shalt  }
0x5c: {  	_ =	shalt  }
0x5d: {  	_ =	shalt  }
0x5e: {  	_ =	shalt  }
0x5f: {  	_ =	shalt  }
0x60: {  	_ =	shalt  }
0x61: {  	_ =	shalt  }
0x62: {  	_ =	shalt  }
0x63: {  	_ =	shalt  }
0x64: {  	_ =	shalt  }
0x65: {  	_ =	shalt  }
0x66: {  	_ =	shalt  }
0x67: {  	_ =	shalt  }
0x68: {  	_ =	shalt  }
0x69: {  	_ =	shalt  }
0x6a: {  	_ =	shalt  }
0x6b: {  	_ =	shalt  }
0x6c: {  	_ =	shalt  }
0x6d: {  	_ =	shalt  }
0x6e: {  	_ =	shalt  }
0x6f: {  	_ =	shalt  }
0x70: {  	_ =	shalt  }
0x71: {  	_ =	shalt  }
0x72: {  	_ =	shalt  }
0x73: {  	_ =	shalt  }
0x74: {  	_ =	shalt  }
0x75: {  	_ =	shalt  }
0x76: {  	_ =	shalt  }
0x77: {  	_ =	shalt  }
0x78: {  	_ =	shalt  }
0x79: {  	_ =	shalt  }
0x7a: {  	_ =	shalt  }
0x7b: {  	_ =	shalt  }
0x7c: {  	_ =	shalt  }
0x7d: {  	_ =	shalt  }
0x7e: {  	_ =	shalt  }
0x7f: {  	_ =	shalt  }
0x80: {  	_ =	shalt  }
0x81: {  	_ =	shalt  }
0x82: {  	_ =	shalt  }
0x83: {  	_ =	shalt  }
0x84: {  	_ =	shalt  }
0x85: {  	_ =	shalt  }
0x86: {  	_ =	shalt  }
0x87: {  	_ =	shalt  }
.Lfunc_end0:
.L_simem_size_0:
called_computation.2_lowered:
.L_overlay_start_0:
0x88: {  	s2 =	sld [smem:$0x3FD9]  }
0x89: {  	s3 =	sld [smem:$0x3FFE];
	_ =	sdelay $0x1  }
0x8a: {  	s1 =	srdreg.scid  }
0x8b: {  	s0 =	sand.u32 $0x1, s1  }
0x8c: {  	s17 =	sshll.u32 s0, $0xA;
	s2 =	sadd.s32 s3, s2  }
0x8d: {  	s2 =	sadd.s32 s2, s17  }
0x8e: {  	[smem:$0x3FB7] =	sst s2  }
0x8f: {  	_ = 	snop  }
0x90: {  	s2 =	sld [smem:$0x3FD0];
	(tm) =	ssettm $0x1  }
0x91: {  	s18 =	sld [smem:$0x3FFB];
	_ =	sdelay $0x3  }
0x92: {  	_ =	strace s18  }
0x93: {  	s3 =	sld [smem:$0x3FFC];
	_ =	sdelay $0x3  }
0x94: {  	_ =	strace s3  }
0x95: {  	s3 =	sld [smem:$0x3FFD];
	_ =	sdelay $0x3  }
0x96: {  	_ =	strace s3  }
0x97: {  	_ =	strace $0x8FFFFFFF  }
0x98: {  	s19 =	sld [smem:$0x3FDB];
	_ =	sdelay $0x1  }
0x99: {  	s4 =	simm.s32 $_scs_section_size  }
0x9a: {  	s5 =	simm.s32 $_size__tile_overlayer_lowered;
	s6 =	simm.s32 $_tile_overlayer_lowered  }
0x9b: {  	s22 =	simm.s32 $0x1BFF;
	s21 =	sshll.u32 s6, $0x1;
	s3 =	sadd.s32 s4, s19  }
0x9c: {  	s7 =	simm.s32 $0x0;
	s20 =	sshll.u32 s5, $0x1;
	s5 =	sadd.s32 s21, s3  }
0x9d: {  	[timem:s7], [sflag:s22] =	dma.local [hbm:s5], s20  }
0x9e: {  	_ =	swait.ge [sflag:s22], s20  }
0x9f: {  	s4 =	ssub.s32 $0x0, s20;
	[sflag:s22] =	ssyncset.done $0x0  }
0xa0: {  	[sflag:s22] =	ssyncadd.s32 s4;
	_ =	sdelay $0x1  }
0xa1: {  	s23 =	simm.s32 $0x1B8B  }
0xa2: {  	_ =	swait.ge [sflag:s23], $0x1  }
0xa3: {  	[sflag:s23] =	ssyncset.done $0x0  }
0xa4: {  	s25 =	simm.s32 $0x1B8E;
	s24 =	sld [smem:$0x3FFE];
	[sflag:s23] =	ssyncadd.s32 $0xFFFFFFFF  }
0xa5: {  	s26 =	simm.s32 $execute0_lowered;
	[smem:$0x3FD2] =	sst s25  }
0xa6: {  	s5 =	sshll.u32 s26, $0x1;
	_ =	strace $0x8000004C;
	[dreg:$0x1] =	wrdreg $0xFFFFFFFF  }
0xa7: {  	s28 =	simm.s32 $_size_execute0_lowered;
	s3 =	sadd.s32 s3, s5;
	[dreg:$0x0] =	wrdreg $0x0  }
0xa8: {  	s5 =	sshll.u32 s28, $0x1;
	[dreg:$0x2] =	wrdreg s3  }
0xa9: {  	[dreg:$0x3] =	wrdreg s5  }
0xaa: {  	[dreg:$0x4] =	wrdreg $0xC0  }
0xab: {  	_ =	task [dreg:s7], $0x5FFFF  }
0xac: {  	[dreg:$0x1] =	wrdreg $0xFFFFFFFF  }
0xad: {  	[dreg:$0x0] =	wrdreg $0x60  }
0xae: {  	[dreg:$0x2] =	wrdreg s24  }
0xaf: {  	[dreg:$0x3] =	wrdreg s2  }
0xb0: {  	[dreg:$0x4] =	wrdreg $0x90000  }
0xb1: {  	[dreg:$0x5] =	wrdreg $0x9  }
0xb2: {  	_ =	task.clear_ibuf [dreg:s7], $0x6FFFF;
	_ =	strace $0x9000004C  }
0xb3: {  	s29 =	simm.s32 $0x9;
	_ =	strace $0x8000004E  }
0xb4: {  	_ =	swait.ge [sflag:s29], $0x1  }
0xb5: {  	[sflag:s29] =	ssyncadd.s32 $0xFFFFFFFF  }
0xb6: {  	_ =	strace $0x9000004E  }
0xb7: {  	_ =	sfence  }
0xb8: {  	s30 =	sld [smem:$0x0];
	_ =	sdelay $0x2  }
0xb9: {  	s31 =	sshll.u32 s1, $0xD;
	s1 =	sshrl.u32 s1, $0x2  }
0xba: {  	s3 =	sand.u32 $0x4000, s31;
	s1 =	sadd.s32 s1, s30  }
0xbb: {  	s0 =	sor.u32 s3, s0;
	s1 =	sshll.u32 s1, $0x11  }
0xbc: {  	s0 =	sor.u32 s1, s0  }
0xbd: {  	s0 =	sadd.s32 $0x8F2B, s0  }
0xbe: {  	[sflag:s0] =	ssyncadd.remote.s32 $0x1  }
0xbf: {  	_ =	sfence.sel $0xFFFF  }
0xc0: {  	[dreg:$0x0] =	wrdreg $0xFFFFFFFF;
	(pc) =	sbr.abs _section_cstart, $3  }
0xc1: {  	[dreg:$0x1] =	wrdreg $0xFFFFFFFF  }
0xc2: {  	_ =	task.clear_ibuf [dreg:s7], $0x2FFFF;
	_ =	strace $0x9FFFFFFF  }
0xc3: {  	(tm) =	ssettm $0x7FFFFFFF  }
tec
execute0_lowered:
.L_overlay_start_1:
0x0: {  	(tag) =	ssettag $0x1  }
0x1: {  	s6 =	rddreg [dreg:$0x0]  }
0x2: {  	s7 =	rddreg [dreg:$0x1]  }
0x3: {  	s0 =	srdreg.scid;
	s2 =	rddreg [dreg:$0x2]  }
0x4: {  	s1 =	rddreg [dreg:$0x3];
	s5 =	sand.u32 $0x1, s0  }
0x5: {  	s0 =	stileid.u32;
	s4 =	smul.u32 $0x28000, s5  }
0x6: {  	s3 =	simm.s32 $0x0;
	s14 =	simm.s32 $0x80;
	s8 =	smul.u32 $0x2800, s0  }
0x7: {  	s15 =	simm.s32 $0x5000;
	s16 =	simm.s32 $0x1;
	s9 =	smul.u32 $0x140000, s5  }
0x8: {  	s17 =	simm.s32 $0x0;
	[smem:$0x7FF] =	sst s3;
	s10 =	smul.u32 $0x14000, s0  }
0x9: {  	_ =	strace $0x8000004D;
	s29 =	ssub.s32 $0x2, s5;
	s13 =	smul.u32 $0x50000, s0  }
0xa: {  	s5 =	sadd.s32 $0x18E00, s6;
	s31 =	sshll.u32 s0, $0x6;
	s12 =	sshrl.u32 s29, $0x1  }
0xb: {  	s8 =	sadd.s32 s8, s4;
	s4 =	sadd.s32 $0xC5600, s6;
	s9 =	sadd.s32 s10, s9  }
0xc: {  	s10 =	ssub.s32 s29, s12;
	s30 =	sshrl.u32 s13, $0x2;
	s12 =	sor.u32 $0x1C02, s31  }
0xd: {  	s8 =	sshrl.u32 s8, $0x3;
	s9 =	sshrl.u32 s9, $0x3;
	s13 =	sadd.s32 s30, s2  }
0xe: {  	s11 =	sadd.s32 s8, s6;
	s9 =	sadd.s32 s9, s6;
	s7 =	sadd.s32 s7, s8  }
0xf: {  	s13 =	sshrl.u32 s13, $0x3;
	s6 =	sadd.s32 $0x4600, s11;
	s8 =	sadd.s32 $0x115600, s9  }
0x10: {  	s9 =	smax.u32 s10, $0x1;
	s10 =	simm.s32 $0x2;
	s11 =	simm.s32 $0x2800  }
.LBB2_1:
0x11: {  	[tilespmem:s3], [sflag:$0x2] =	stream.linear.gather [hbm4b:s6+s3], $0x2780, $0x38;
	[tilespmem:$0x1D000] =	vst v63  }
0x12: {  	_ =	swait.ge [sflag:s10], $0x2780  }
0x13: {  	[sflag:s10] =	ssyncset.done $0x0  }
0x14: {  	[sflag:s10] =	ssyncadd.s32 $0xFFFFD880  }
0x15: {  	[tilespmem:s11], [sflag:$0x2] =	stream.linear.gather [hbm4b:s7+s3], $0x2780, $0x38;
	[tilespmem:$0x1D000] =	vst v63  }
0x16: {  	_ =	swait.ge [sflag:s10], $0x2780  }
0x17: {  	[sflag:s10] =	ssyncset.done $0x0  }
0x18: {  	[sflag:s10] =	ssyncadd.s32 $0xFFFFD880  }
0x19: {  	[spmem:s13], [sflag:s12] =	dma.local [hbm:s5], $0x2800  }
0x1a: {  	_ =	swait.ge [sflag:s10], $0x2800  }
0x1b: {  	[sflag:s10] =	ssyncset.done $0x0  }
0x1c: {  	[sflag:s10] =	ssyncadd.s32 $0xFFFFD800  }
0x1d: {  	s18 =	simm.s32 $0x0;
	[bflag:$0x0] =	sbarrier.arrive $0xFFFF  }
0x1e: {  	[tilespmem:s15], [sflag:$0x1] =	stream.indirect.gather [hbm4b:s4+s14], $0x80, s18, s14, $0xb8;
	[tilespmem:$0x1D000] =	vst v63  }
0x1f: {  	_ =	swait.ge [sflag:s16], $0x4000  }
0x20: {  	[sflag:s16] =	ssyncset.done $0x0  }
0x21: {  	s31 =	simm.s32 $0x2800;
	[sflag:s16] =	ssyncadd.s32 $0xFFFFC000  }
0x22: {  	[spmem:s2] =	stream.indirect.scatter.add.f32 [tilespmem:s15], [sflag:$0x2], $0x80, s31, s14, $0xb8;
	[tilespmem:$0x1D000] =	vst v63  }
0x23: {  	_ =	swait.ge [sflag:s10], $0x4000  }
0x24: {  	s19 =	simm.s32 $0x400;
	s18 =	simm.s32 $0x200;
	[sflag:s10] =	ssyncset.done $0x0  }
.LBB2_2:
0x25: {  	s20 =	sshra.s32 s18, $0x2  }
0x26: {  	[sflag:s10] =	ssyncadd.s32 $0xFFFFC000;
	s18 =	smov.u32 s19;
	s21 =	sadd.s32 $0x200, s19  }
0x27: {  	[tilespmem:s15], [sflag:$0x1] =	stream.indirect.gather [hbm4b:s4+s14], $0x80, s20, s14, $0xb8;
	[tilespmem:$0x1D000] =	vst v63  }
0x28: {  	p0 =	sne.s32 s19, $0x9C00;
	_ =	swait.ge [sflag:s16], $0x4000  }
.Ltmp0:
0x29: {  	[sflag:s16] =	ssyncset.done $0x0;
	(pc) =	sbr.rel @p0 .LBB2_2-.Ltmp0, $4  }
0x2a: {  	s19 =	sadd.s32 $0x2800, s20;
	[sflag:s16] =	ssyncadd.s32 $0xFFFFC000  }
0x2b: {  	[spmem:s2] =	stream.indirect.scatter.add.f32 [tilespmem:s15], [sflag:$0x2], $0x80, s19, s14, $0xb8;
	[tilespmem:$0x1D000] =	vst v63  }
0x2c: {  	_ =	swait.ge [sflag:s10], $0x4000  }
0x2d: {  	s19 =	smov.u32 s21;
	[sflag:s10] =	ssyncset.done $0x0  }
0x2e: {  	s18 =	sshra.s32 s18, $0x2;
	[sflag:s10] =	ssyncadd.s32 $0xFFFFC000  }
0x2f: {  	[tilespmem:s15], [sflag:$0x1] =	stream.indirect.gather [hbm4b:s4+s14], $0x80, s18, s14, $0xb8;
	[tilespmem:$0x1D000] =	vst v63  }
0x30: {  	_ =	swait.ge [sflag:s16], $0x4000  }
0x31: {  	[sflag:s16] =	ssyncset.done $0x0  }
0x32: {  	s18 =	sadd.s32 $0x2800, s18;
	[sflag:s16] =	ssyncadd.s32 $0xFFFFC000  }
0x33: {  	[spmem:s2] =	stream.indirect.scatter.add.f32 [tilespmem:s15], [sflag:$0x2], $0x80, s18, s14, $0xb8;
	[tilespmem:$0x1D000] =	vst v63  }
0x34: {  	_ =	swait.ge [sflag:s10], $0x4000  }
0x35: {  	s17 =	sadd.s32 $0x1, s17;
	[sflag:s10] =	ssyncset.done $0x0  }
0x36: {  	p0 =	sne.s32 s17, s9;
	[sflag:s10] =	ssyncadd.s32 $0xFFFFC000  }
.Ltmp1:
0x37: {  	[bflag:$0x0] =	sbarrier.arrive $0xFFFF;
	(pc) =	sbr.rel @p0 .LBB2_1-.Ltmp1, $4  }
0x38: {  	[hbm:s8], [sflag:s12] =	dma.local [spmem:s13], $0x2800  }
0x39: {  	_ =	swait.ge [sflag:s10], $0x2800  }
0x3a: {  	[sflag:s10] =	ssyncset.done $0x0  }
0x3b: {  	[sflag:s10] =	ssyncadd.s32 $0xFFFFD800  }
0x3c: {  	_ =	sfence.sel $0x180000  }
0x3d: {  	[bflag:$0x0] =	sbarrier.arrive $0xFFFF  }
0x3e: {  	p0 =	sne.s32 s0, $0x0;
	_ =	strace $0x9000004D  }
0x3f: {  	s0 =	sadd.s32 @!p0 $0x100000, s1;
	[bflag:$0x2] =	sbarrier.arrive $0xFFFF  }
0x40: {  	[sflag:s0] =	ssyncadd.tile.s32 @!p0 $0x1;
	_ =	shalt  }
.Lfunc_end2:
_tile_overlayer_lowered:
.L_overlay_start_2:
0x41: {  	(tag) =	ssettag $0x2  }
0x42: {  	s0 =	rddreg [dreg:$0x0];
	s2 =	stileid.u32  }
0x43: {  	s1 =	rddreg [dreg:$0x1];
	p0 =	sne.s32 s2, $0x0  }
0x44: {  	s3 =	rddreg [dreg:$0x2];
	[bflag:$0x3] =	sbarrier.arrive $0xFFFF;
	s2 =	simm.s32 @!p0 $0x1C02  }
0x45: {  	[timem:s3], [sflag:s2] =	dma.local @!p0 [hbm:s0], s1  }
0x46: {  	s0 =	simm.s32 @!p0 $0x2  }
0x47: {  	_ =	swait.ge @!p0 [sflag:s0], s1  }
0x48: {  	s1 =	ssub.s32 @!p0 $0x0, s1;
	[sflag:s0] =	ssyncset.done @!p0 $0x0  }
0x49: {  	[sflag:s0] =	ssyncadd.s32 @!p0 s1  }
0x4a: {  	[bflag:$0x3] =	sbarrier.arrive $0xFFFF  }
0x4b: {  	_ =	shalt  }

// kernel: kernel.19.cloned.1.call-start
scs
__scs_entry_jumppad:
0x0: {  	(pc) =	sbr.rel $0x88, $3  }
0x1: {  	(tag) =	ssettag $0x0;
	lr =	simm.s32 $0x1  }
0x2: {  	[smem:$0x3F90] =	sst lr;
	_ =	strace $0xD0000000  }
0x3: {  	_ = 	snop  }
0x4: {  	_ = 	snop  }
0x5: {  	_ = 	snop  }
0x6: {  	_ = 	snop  }
0x7: {  	_ = 	snop  }
__scs_overlays_trampoline_lowered:
0x8: {  	[smem:$0x3F9F] =	sst s0  }
0x9: {  	[smem:$0x3FA0] =	sst s1  }
0xa: {  	[smem:$0x3FA1] =	sst s2  }
0xb: {  	[smem:$0x3FA2] =	sst s3  }
0xc: {  	[smem:$0x3FA3] =	sst s4  }
0xd: {  	[smem:$0x3FA4] =	sst s5  }
0xe: {  	[smem:$0x3FA5] =	sst s6  }
0xf: {  	[smem:$0x3FA6] =	sst s7  }
0x10: {  	[smem:$0x3FA7] =	sst s8  }
0x11: {  	[smem:$0x3FA8] =	sst s9;
	s0 =	simm.s32 @!p0 $0x0  }
0x12: {  	s1 =	sld [smem:$0x3F8E];
	s0 =	simm.s32 @p0 $0x1  }
0x13: {  	[smem:$0x3FA9] =	sst s0;
	s0 =	simm.s32 @!p1 $0x0  }
0x14: {  	s2 =	sld [smem:$0x3F8D];
	s0 =	simm.s32 @p1 $0x1  }
0x15: {  	[smem:$0x3FAA] =	sst s0;
	s0 =	simm.s32 @!p2 $0x0  }
0x16: {  	s3 =	sld [smem:$0x3FDB];
	s0 =	simm.s32 @p2 $0x1  }
0x17: {  	s4 =	simm.s32 $0x1BF5;
	[smem:$0x3FAC] =	sst s0  }
0x18: {  	s0 =	sld [smem:$0x3F8F];
	_ =	swait.ge [sflag:s4], $0x0  }
0x19: {  	s7 =	sld [smem:$0x3F90]  }
0x1a: {  	s8 =	sadd.s32 $0xFFFFE003, lr  }
0x1b: {  	s9 =	sadd.s32 $0xFFFFFEF7, lr;
	s5 =	simm.s32 $0xFFFFFFFF;
	p2 =	slt.u32 s8, $0xFFFFF086  }
0x1c: {  	p1 =	slt.u32 s9, $0xF7A;
	s5 =	simm.s32 @!p2 $0x0  }
0x1d: {  	s5 =	simm.s32 @p1 $0x1;
	p0 =	seq.s32 s7, s2  }
0x1e: {  	s7 =	smul.u32 @!p0 $0xF7A, s2;
	p2 =	seq.s32 @!p0 s5, $0x0  }
0x1f: {  	s9 =	smul.u32 $0xF7A, s1;
	s8 =	simm.s32 @!p0 $0x1BF5;
	p2 =	por !p2, p0  }
0x20: {  	[sflag:s8] =	ssyncset.s32 @!p0 $0xFFFFF086;
	s6 =	sadd.s32 @!p0 s3, s7;
	s7 =	simm.s32 @!p0 $0x108  }
0x21: {  	s3 =	sadd.s32 s3, s9;
	s6 =	sadd.s32 @!p0 $0x88, s6;
	s7 =	simm.s32 @p2 $0x1082  }
0x22: {  	[simem:s7], [sflag:s8] =	dma.local @!p0 [hbm:s6], $0xF7A  }
0x23: {  	s9 =	sor.u32 $0xD0000000, s2;
	s6 =	simm.s32 $0x108;
	_ =	swait.ge @!p0 [sflag:s8], $0x0  }
0x24: {  	s3 =	sadd.s32 $0x88, s3;
	s6 =	simm.s32 @!p1 $0x1082;
	[sflag:s4] =	ssyncset.s32 $0xFFFFF086  }
0x25: {  	[simem:s6], [sflag:s4] =	dma.local [hbm:s3], $0xF7A  }
0x26: {  	[smem:$0x3F90] =	sst s1;
	(tag) =	ssettag s2;
	_ =	strace s9  }
0x27: {  	s1 =	sld [smem:$0x3FA0]  }
0x28: {  	s2 =	sld [smem:$0x3FA1]  }
0x29: {  	s4 =	sld [smem:$0x3FA3]  }
0x2a: {  	p0 =	seq.s32 s5, $0x0;
	s5 =	sld [smem:$0x3FA4]  }
0x2b: {  	s6 =	sld [smem:$0x3FA5]  }
0x2c: {  	s7 =	sld [smem:$0x3FA6]  }
0x2d: {  	s3 =	simm.s32 $0x108;
	s8 =	sld [smem:$0x3FA7]  }
0x2e: {  	s3 =	simm.s32 @!p0 $0x1082;
	s9 =	sld [smem:$0x3FA8]  }
0x2f: {  	lr =	sadd.s32 s0, s3;
	s0 =	sld [smem:$0x3F9F]  }
0x30: {  	s3 =	sld [smem:$0x3FA2]  }
0x31: {  	[smem:$0x3FAB] =	sst s10  }
0x32: {  	s10 =	sld [smem:$0x3FA9];
	_ =	sdelay $0x3  }
0x33: {  	p0 =	seq.s32 s10, $0x1;
	s10 =	sld [smem:$0x3FAB];
	_ =	sdelay $0x3  }
0x34: {  	[smem:$0x3FAB] =	sst s10  }
0x35: {  	s10 =	sld [smem:$0x3FAA];
	_ =	sdelay $0x3  }
0x36: {  	p1 =	seq.s32 s10, $0x1;
	s10 =	sld [smem:$0x3FAB];
	_ =	sdelay $0x3  }
0x37: {  	[smem:$0x3FAB] =	sst s10  }
0x38: {  	s10 =	sld [smem:$0x3FAC]  }
0x39: {  	_ = 	snop;
	(pc) =	sbr.ind lr, $3  }
0x3a: {  	_ = 	snop  }
0x3b: {  	_ = 	snop  }
0x3c: {  	p2 =	seq.s32 s10, $0x1;
	s10 =	sld [smem:$0x3FAB]  }
0x3d: {  	_ =	shalt  }
0x3e: {  	_ =	shalt  }
0x3f: {  	_ =	shalt  }
0x40: {  	_ =	shalt  }
0x41: {  	_ =	shalt  }
0x42: {  	_ =	shalt  }
0x43: {  	_ =	shalt  }
0x44: {  	_ =	shalt  }
0x45: {  	_ =	shalt  }
0x46: {  	_ =	shalt  }
0x47: {  	_ =	shalt  }
0x48: {  	_ =	shalt  }
0x49: {  	_ =	shalt  }
0x4a: {  	_ =	shalt  }
0x4b: {  	_ =	shalt  }
0x4c: {  	_ =	shalt  }
0x4d: {  	_ =	shalt  }
0x4e: {  	_ =	shalt  }
0x4f: {  	_ =	shalt  }
0x50: {  	_ =	shalt  }
0x51: {  	_ =	shalt  }
0x52: {  	_ =	shalt  }
0x53: {  	_ =	shalt  }
0x54: {  	_ =	shalt  }
0x55: {  	_ =	shalt  }
0x56: {  	_ =	shalt  }
0x57: {  	_ =	shalt  }
0x58: {  	_ =	shalt  }
0x59: {  	_ =	shalt  }
0x5a: {  	_ =	shalt  }
0x5b: {  	_ =	shalt  }
0x5c: {  	_ =	shalt  }
0x5d: {  	_ =	shalt  }
0x5e: {  	_ =	shalt  }
0x5f: {  	_ =	shalt  }
0x60: {  	_ =	shalt  }
0x61: {  	_ =	shalt  }
0x62: {  	_ =	shalt  }
0x63: {  	_ =	shalt  }
0x64: {  	_ =	shalt  }
0x65: {  	_ =	shalt  }
0x66: {  	_ =	shalt  }
0x67: {  	_ =	shalt  }
0x68: {  	_ =	shalt  }
0x69: {  	_ =	shalt  }
0x6a: {  	_ =	shalt  }
0x6b: {  	_ =	shalt  }
0x6c: {  	_ =	shalt  }
0x6d: {  	_ =	shalt  }
0x6e: {  	_ =	shalt  }
0x6f: {  	_ =	shalt  }
0x70: {  	_ =	shalt  }
0x71: {  	_ =	shalt  }
0x72: {  	_ =	shalt  }
0x73: {  	_ =	shalt  }
0x74: {  	_ =	shalt  }
0x75: {  	_ =	shalt  }
0x76: {  	_ =	shalt  }
0x77: {  	_ =	shalt  }
0x78: {  	_ =	shalt  }
0x79: {  	_ =	shalt  }
0x7a: {  	_ =	shalt  }
0x7b: {  	_ =	shalt  }
0x7c: {  	_ =	shalt  }
0x7d: {  	_ =	shalt  }
0x7e: {  	_ =	shalt  }
0x7f: {  	_ =	shalt  }
0x80: {  	_ =	shalt  }
0x81: {  	_ =	shalt  }
0x82: {  	_ =	shalt  }
0x83: {  	_ =	shalt  }
0x84: {  	_ =	shalt  }
0x85: {  	_ =	shalt  }
0x86: {  	_ =	shalt  }
0x87: {  	_ =	shalt  }
.Lfunc_end0:
.L_simem_size_0:
called_computation.3_lowered:
.L_overlay_start_0:
0x88: {  	s2 =	sld [smem:$0x3FD9]  }
0x89: {  	s3 =	sld [smem:$0x3FFE];
	_ =	sdelay $0x1  }
0x8a: {  	s1 =	srdreg.scid  }
0x8b: {  	s0 =	sand.u32 $0x1, s1  }
0x8c: {  	s17 =	sshll.u32 s0, $0xA;
	s2 =	sadd.s32 s3, s2  }
0x8d: {  	s2 =	sadd.s32 s2, s17  }
0x8e: {  	[smem:$0x3FB7] =	sst s2  }
0x8f: {  	_ = 	snop  }
0x90: {  	s2 =	sld [smem:$0x3FD0];
	(tm) =	ssettm $0x1  }
0x91: {  	s18 =	sld [smem:$0x3FFB];
	_ =	sdelay $0x3  }
0x92: {  	_ =	strace s18  }
0x93: {  	s3 =	sld [smem:$0x3FFC];
	_ =	sdelay $0x3  }
0x94: {  	_ =	strace s3  }
0x95: {  	s3 =	sld [smem:$0x3FFD];
	_ =	sdelay $0x3  }
0x96: {  	_ =	strace s3  }
0x97: {  	_ =	strace $0x8FFFFFFF  }
0x98: {  	s19 =	sld [smem:$0x3FDB];
	_ =	sdelay $0x1  }
0x99: {  	s4 =	simm.s32 $_scs_section_size  }
0x9a: {  	s5 =	simm.s32 $_size__tile_overlayer_lowered;
	s6 =	simm.s32 $_tile_overlayer_lowered  }
0x9b: {  	s22 =	simm.s32 $0x1BFF;
	s21 =	sshll.u32 s6, $0x1;
	s3 =	sadd.s32 s4, s19  }
0x9c: {  	s7 =	simm.s32 $0x0;
	s20 =	sshll.u32 s5, $0x1;
	s5 =	sadd.s32 s21, s3  }
0x9d: {  	[timem:s7], [sflag:s22] =	dma.local [hbm:s5], s20  }
0x9e: {  	_ =	swait.ge [sflag:s22], s20  }
0x9f: {  	s4 =	ssub.s32 $0x0, s20;
	[sflag:s22] =	ssyncset.done $0x0  }
0xa0: {  	[sflag:s22] =	ssyncadd.s32 s4;
	_ =	sdelay $0x1  }
0xa1: {  	s23 =	simm.s32 $0x1B8B  }
0xa2: {  	_ =	swait.ge [sflag:s23], $0x1  }
0xa3: {  	[sflag:s23] =	ssyncset.done $0x0  }
0xa4: {  	s25 =	simm.s32 $0x1B8E;
	s24 =	sld [smem:$0x3FFE];
	[sflag:s23] =	ssyncadd.s32 $0xFFFFFFFF  }
0xa5: {  	s26 =	simm.s32 $execute0_lowered;
	[smem:$0x3FD2] =	sst s25  }
0xa6: {  	s5 =	sshll.u32 s26, $0x1;
	_ =	strace $0x8000004F;
	[dreg:$0x1] =	wrdreg $0xFFFFFFFF  }
0xa7: {  	s28 =	simm.s32 $_size_execute0_lowered;
	s3 =	sadd.s32 s3, s5;
	[dreg:$0x0] =	wrdreg $0x0  }
0xa8: {  	s5 =	sshll.u32 s28, $0x1;
	[dreg:$0x2] =	wrdreg s3  }
0xa9: {  	[dreg:$0x3] =	wrdreg s5  }
0xaa: {  	[dreg:$0x4] =	wrdreg $0xC0  }
0xab: {  	_ =	task [dreg:s7], $0x5FFFF  }
0xac: {  	[dreg:$0x1] =	wrdreg $0xFFFFFFFF  }
0xad: {  	[dreg:$0x0] =	wrdreg $0x60  }
0xae: {  	[dreg:$0x2] =	wrdreg s24  }
0xaf: {  	[dreg:$0x3] =	wrdreg s2  }
0xb0: {  	[dreg:$0x4] =	wrdreg $0x90000  }
0xb1: {  	[dreg:$0x5] =	wrdreg $0x9  }
0xb2: {  	_ =	task.clear_ibuf [dreg:s7], $0x6FFFF;
	_ =	strace $0x9000004F  }
0xb3: {  	s29 =	simm.s32 $0x9;
	_ =	strace $0x80000051  }
0xb4: {  	_ =	swait.ge [sflag:s29], $0x1  }
0xb5: {  	[sflag:s29] =	ssyncadd.s32 $0xFFFFFFFF  }
0xb6: {  	_ =	strace $0x90000051  }
0xb7: {  	_ =	sfence  }
0xb8: {  	s30 =	sld [smem:$0x0];
	_ =	sdelay $0x2  }
0xb9: {  	s31 =	sshll.u32 s1, $0xD;
	s1 =	sshrl.u32 s1, $0x2  }
0xba: {  	s3 =	sand.u32 $0x4000, s31;
	s1 =	sadd.s32 s1, s30  }
0xbb: {  	s0 =	sor.u32 s3, s0;
	s1 =	sshll.u32 s1, $0x11  }
0xbc: {  	s0 =	sor.u32 s1, s0  }
0xbd: {  	s0 =	sadd.s32 $0x8F2B, s0  }
0xbe: {  	[sflag:s0] =	ssyncadd.remote.s32 $0x1  }
0xbf: {  	_ =	sfence.sel $0xFFFF  }
0xc0: {  	[dreg:$0x0] =	wrdreg $0xFFFFFFFF;
	(pc) =	sbr.abs _section_cstart, $3  }
0xc1: {  	[dreg:$0x1] =	wrdreg $0xFFFFFFFF  }
0xc2: {  	_ =	task.clear_ibuf [dreg:s7], $0x2FFFF;
	_ =	strace $0x9FFFFFFF  }
0xc3: {  	(tm) =	ssettm $0x7FFFFFFF  }
tec
execute0_lowered:
.L_overlay_start_1:
0x0: {  	(tag) =	ssettag $0x1  }
0x1: {  	s6 =	rddreg [dreg:$0x0]  }
0x2: {  	s7 =	rddreg [dreg:$0x1]  }
0x3: {  	s0 =	srdreg.scid;
	s2 =	rddreg [dreg:$0x2]  }
0x4: {  	s1 =	rddreg [dreg:$0x3];
	s5 =	sand.u32 $0x1, s0  }
0x5: {  	s0 =	stileid.u32;
	s4 =	smul.u32 $0x28000, s5  }
0x6: {  	s3 =	simm.s32 $0x0;
	s14 =	simm.s32 $0x80;
	s8 =	smul.u32 $0x2800, s0  }
0x7: {  	s15 =	simm.s32 $0x5000;
	s16 =	simm.s32 $0x1;
	s9 =	smul.u32 $0x140000, s5  }
0x8: {  	s17 =	simm.s32 $0x0;
	[smem:$0x7FF] =	sst s3;
	s10 =	smul.u32 $0x14000, s0  }
0x9: {  	_ =	strace $0x80000050;
	s29 =	ssub.s32 $0x2, s5;
	s13 =	smul.u32 $0x50000, s0  }
0xa: {  	s5 =	sadd.s32 $0x18E00, s6;
	s31 =	sshll.u32 s0, $0x6;
	s12 =	sshrl.u32 s29, $0x1  }
0xb: {  	s8 =	sadd.s32 s8, s4;
	s4 =	sadd.s32 $0xC5600, s6;
	s9 =	sadd.s32 s10, s9  }
0xc: {  	s10 =	ssub.s32 s29, s12;
	s30 =	sshrl.u32 s13, $0x2;
	s12 =	sor.u32 $0x1C02, s31  }
0xd: {  	s8 =	sshrl.u32 s8, $0x3;
	s9 =	sshrl.u32 s9, $0x3;
	s13 =	sadd.s32 s30, s2  }
0xe: {  	s11 =	sadd.s32 s8, s6;
	s9 =	sadd.s32 s9, s6;
	s7 =	sadd.s32 s7, s8  }
0xf: {  	s13 =	sshrl.u32 s13, $0x3;
	s6 =	sadd.s32 $0xBB600, s11;
	s8 =	sadd.s32 $0xED600, s9  }
0x10: {  	s9 =	smax.u32 s10, $0x1;
	s10 =	simm.s32 $0x2;
	s11 =	simm.s32 $0x2800  }
.LBB2_1:
0x11: {  	[tilespmem:s3], [sflag:$0x2] =	stream.linear.gather [hbm4b:s6+s3], $0x2780, $0x38;
	[tilespmem:$0x1D000] =	vst v63  }
0x12: {  	_ =	swait.ge [sflag:s10], $0x2780  }
0x13: {  	[sflag:s10] =	ssyncset.done $0x0  }
0x14: {  	[sflag:s10] =	ssyncadd.s32 $0xFFFFD880  }
0x15: {  	[tilespmem:s11], [sflag:$0x2] =	stream.linear.gather [hbm4b:s7+s3], $0x2780, $0x38;
	[tilespmem:$0x1D000] =	vst v63  }
0x16: {  	_ =	swait.ge [sflag:s10], $0x2780  }
0x17: {  	[sflag:s10] =	ssyncset.done $0x0  }
0x18: {  	[sflag:s10] =	ssyncadd.s32 $0xFFFFD880  }
0x19: {  	[spmem:s13], [sflag:s12] =	dma.local [hbm:s5], $0x2800  }
0x1a: {  	_ =	swait.ge [sflag:s10], $0x2800  }
0x1b: {  	[sflag:s10] =	ssyncset.done $0x0  }
0x1c: {  	[sflag:s10] =	ssyncadd.s32 $0xFFFFD800  }
0x1d: {  	s18 =	simm.s32 $0x0;
	[bflag:$0x0] =	sbarrier.arrive $0xFFFF  }
0x1e: {  	[tilespmem:s15], [sflag:$0x1] =	stream.indirect.gather [hbm4b:s4+s14], $0x80, s18, s14, $0xb8;
	[tilespmem:$0x1D000] =	vst v63  }
0x1f: {  	_ =	swait.ge [sflag:s16], $0x4000  }
0x20: {  	[sflag:s16] =	ssyncset.done $0x0  }
0x21: {  	s31 =	simm.s32 $0x2800;
	[sflag:s16] =	ssyncadd.s32 $0xFFFFC000  }
0x22: {  	[spmem:s2] =	stream.indirect.scatter.add.f32 [tilespmem:s15], [sflag:$0x2], $0x80, s31, s14, $0xb8;
	[tilespmem:$0x1D000] =	vst v63  }
0x23: {  	_ =	swait.ge [sflag:s10], $0x4000  }
0x24: {  	s19 =	simm.s32 $0x400;
	s18 =	simm.s32 $0x200;
	[sflag:s10] =	ssyncset.done $0x0  }
.LBB2_2:
0x25: {  	s20 =	sshra.s32 s18, $0x2  }
0x26: {  	[sflag:s10] =	ssyncadd.s32 $0xFFFFC000;
	s18 =	smov.u32 s19;
	s21 =	sadd.s32 $0x200, s19  }
0x27: {  	[tilespmem:s15], [sflag:$0x1] =	stream.indirect.gather [hbm4b:s4+s14], $0x80, s20, s14, $0xb8;
	[tilespmem:$0x1D000] =	vst v63  }
0x28: {  	p0 =	sne.s32 s19, $0x9C00;
	_ =	swait.ge [sflag:s16], $0x4000  }
.Ltmp0:
0x29: {  	[sflag:s16] =	ssyncset.done $0x0;
	(pc) =	sbr.rel @p0 .LBB2_2-.Ltmp0, $4  }
0x2a: {  	s19 =	sadd.s32 $0x2800, s20;
	[sflag:s16] =	ssyncadd.s32 $0xFFFFC000  }
0x2b: {  	[spmem:s2] =	stream.indirect.scatter.add.f32 [tilespmem:s15], [sflag:$0x2], $0x80, s19, s14, $0xb8;
	[tilespmem:$0x1D000] =	vst v63  }
0x2c: {  	_ =	swait.ge [sflag:s10], $0x4000  }
0x2d: {  	s19 =	smov.u32 s21;
	[sflag:s10] =	ssyncset.done $0x0  }
0x2e: {  	s18 =	sshra.s32 s18, $0x2;
	[sflag:s10] =	ssyncadd.s32 $0xFFFFC000  }
0x2f: {  	[tilespmem:s15], [sflag:$0x1] =	stream.indirect.gather [hbm4b:s4+s14], $0x80, s18, s14, $0xb8;
	[tilespmem:$0x1D000] =	vst v63  }
0x30: {  	_ =	swait.ge [sflag:s16], $0x4000  }
0x31: {  	[sflag:s16] =	ssyncset.done $0x0  }
0x32: {  	s18 =	sadd.s32 $0x2800, s18;
	[sflag:s16] =	ssyncadd.s32 $0xFFFFC000  }
0x33: {  	[spmem:s2] =	stream.indirect.scatter.add.f32 [tilespmem:s15], [sflag:$0x2], $0x80, s18, s14, $0xb8;
	[tilespmem:$0x1D000] =	vst v63  }
0x34: {  	_ =	swait.ge [sflag:s10], $0x4000  }
0x35: {  	s17 =	sadd.s32 $0x1, s17;
	[sflag:s10] =	ssyncset.done $0x0  }
0x36: {  	p0 =	sne.s32 s17, s9;
	[sflag:s10] =	ssyncadd.s32 $0xFFFFC000  }
.Ltmp1:
0x37: {  	[bflag:$0x0] =	sbarrier.arrive $0xFFFF;
	(pc) =	sbr.rel @p0 .LBB2_1-.Ltmp1, $4  }
0x38: {  	[hbm:s8], [sflag:s12] =	dma.local [spmem:s13], $0x2800  }
0x39: {  	_ =	swait.ge [sflag:s10], $0x2800  }
0x3a: {  	[sflag:s10] =	ssyncset.done $0x0  }
0x3b: {  	[sflag:s10] =	ssyncadd.s32 $0xFFFFD800  }
0x3c: {  	_ =	sfence.sel $0x180000  }
0x3d: {  	[bflag:$0x0] =	sbarrier.arrive $0xFFFF  }
0x3e: {  	p0 =	sne.s32 s0, $0x0;
	_ =	strace $0x90000050  }
0x3f: {  	s0 =	sadd.s32 @!p0 $0x100000, s1;
	[bflag:$0x2] =	sbarrier.arrive $0xFFFF  }
0x40: {  	[sflag:s0] =	ssyncadd.tile.s32 @!p0 $0x1;
	_ =	shalt  }
.Lfunc_end2:
_tile_overlayer_lowered:
.L_overlay_start_2:
0x41: {  	(tag) =	ssettag $0x2  }
0x42: {  	s0 =	rddreg [dreg:$0x0];
	s2 =	stileid.u32  }
0x43: {  	s1 =	rddreg [dreg:$0x1];
	p0 =	sne.s32 s2, $0x0  }
0x44: {  	s3 =	rddreg [dreg:$0x2];
	[bflag:$0x3] =	sbarrier.arrive $0xFFFF;
	s2 =	simm.s32 @!p0 $0x1C02  }
0x45: {  	[timem:s3], [sflag:s2] =	dma.local @!p0 [hbm:s0], s1  }
0x46: {  	s0 =	simm.s32 @!p0 $0x2  }
0x47: {  	_ =	swait.ge @!p0 [sflag:s0], s1  }
0x48: {  	s1 =	ssub.s32 @!p0 $0x0, s1;
	[sflag:s0] =	ssyncset.done @!p0 $0x0  }
0x49: {  	[sflag:s0] =	ssyncadd.s32 @!p0 s1  }
0x4a: {  	[bflag:$0x3] =	sbarrier.arrive $0xFFFF  }
0x4b: {  	_ =	shalt  }

</sc_bundles>
